<compile_context>
chip_gen: v7x
topology: tpu7x:2x2x1
jax: 0.10.2.dev20260603
libtpu: 0.0.44.dev20260713+nightly
codegen_flags: <defaults>
</compile_context>

<pallas_src>
import functools

import jax
import jax.numpy as jnp
from jax import lax
from jax.experimental import pallas as pl
from jax.experimental.pallas import tpu as pltpu
from jax.experimental.pallas import tpu_sc as plsc

_B, _N, _M, _C = 4, 1024, 4096, 256
_K = 32
_CMID, _COUT = 256, 512
_TN = 128
_NW = 32
_CH = 128


def _prep_body(feat_ref, sxyz_ref, w1f_ref, w1dp_ref, b1_ref, out_ref):
    f = feat_ref[0]
    s = sxyz_ref[0]
    h = lax.dot_general(f, w1f_ref[...], (((0,), (1,)), ((), ())),
                        preferred_element_type=jnp.float32)
    h = h + lax.dot_general(s, w1dp_ref[...], (((1,), (1,)), ((), ())),
                            preferred_element_type=jnp.float32)
    out_ref[0] = h + b1_ref[...]


def _make_table(features, support_xyz, w1f, w1dp, b1):
    return pl.pallas_call(
        _prep_body,
        grid=(1,),
        in_specs=[
            pl.BlockSpec((1, _C, _M), lambda b: (b, 0, 0)),
            pl.BlockSpec((1, _M, 3), lambda b: (b, 0, 0)),
            pl.BlockSpec((_CMID, _C), lambda b: (0, 0)),
            pl.BlockSpec((_CMID, 3), lambda b: (0, 0)),
            pl.BlockSpec((1, _CMID), lambda b: (0, 0)),
        ],
        out_specs=pl.BlockSpec((1, _M, _CMID), lambda b: (b, 0, 0)),
        out_shape=jax.ShapeDtypeStruct((1, _M, _CMID), jnp.float32),
    )(features, support_xyz, w1f, w1dp, b1)


def _topk_body(q_ref, st_ref, idx_ref):
    q = q_ref[0]
    s = st_ref[0]
    qn = jnp.sum(q * q, axis=1, keepdims=True)
    sn = jnp.sum(s * s, axis=0, keepdims=True)
    dot = lax.dot_general(q, s, (((1,), (0,)), ((), ())),
                          preferred_element_type=jnp.float32)
    d = jnp.maximum(qn + sn - 2.0 * dot, 0.0)
    bits = lax.bitcast_convert_type(d, jnp.int32)
    iota = lax.broadcasted_iota(jnp.int32, (_TN, _M), 1)
    key = jnp.bitwise_and(bits, jnp.int32(-4096)) | iota
    m = jnp.min(key, axis=1, keepdims=True)
    cols = [m]
    for _ in range(_K - 1):
        madj = m + jnp.int32(-2147483647)
        m = madj + jnp.min(key - madj, axis=1, keepdims=True)
        cols.append(m)
    idx = jnp.concatenate(cols, axis=1)
    idx_ref[0] = jnp.bitwise_and(idx, 4095)


def _topk(query_xyz, support_t):
    return pl.pallas_call(
        _topk_body,
        grid=(1, _N // _TN),
        in_specs=[
            pl.BlockSpec((1, _TN, 3), lambda b, t: (b, t, 0)),
            pl.BlockSpec((1, 3, _M), lambda b, t: (b, 0, 0)),
        ],
        out_specs=pl.BlockSpec((1, _TN, _K), lambda b, t: (b, t, 0)),
        out_shape=jax.ShapeDtypeStruct((1, _N, _K), jnp.int32),
    )(query_xyz, support_t)


_BT = _K * _N
_BPW = _BT // _NW


def _sc_gather_body(table_hbm, idx_hbm, out_hbm, idx_v, rows_v, sem):
    wid = lax.axis_index("s") * 2 + lax.axis_index("c")
    base = wid * _BPW

    def chunk(c, carry):
        off = base + c * _CH
        pltpu.sync_copy(idx_hbm.at[pl.ds(off, _CH)], idx_v)
        pltpu.async_copy(table_hbm.at[idx_v], rows_v, sem).wait()
        pltpu.sync_copy(rows_v, out_hbm.at[pl.ds(off, _CH)])
        return carry

    lax.fori_loop(0, _BPW // _CH, chunk, 0)


@functools.cache
def _sc_gather_fn():
    return pl.kernel(
        _sc_gather_body,
        out_type=jax.ShapeDtypeStruct((_BT, _CMID), jnp.float32),
        mesh=plsc.VectorSubcoreMesh(core_axis_name="c", subcore_axis_name="s"),
        scratch_types=[
            pltpu.VMEM((_CH,), jnp.int32),
            pltpu.VMEM((_CH, _CMID), jnp.float32),
            pltpu.SemaphoreType.DMA,
        ],
    )


def _mlp_body(g_ref, q_ref, w1dp_ref, w2_ref, b2_ref, out_ref):
    q = q_ref[0]
    corr = lax.dot_general(q, w1dp_ref[...], (((1,), (1,)), ((), ())),
                           preferred_element_type=jnp.float32)
    w2 = w2_ref[...]
    acc = jnp.full((_COUT, _TN), -jnp.inf, dtype=jnp.float32)
    for k in range(_K):
        h1 = jnp.maximum(g_ref[0, k] - corr, 0.0)
        h2 = lax.dot_general(w2, h1, (((1,), (1,)), ((), ())),
                             preferred_element_type=jnp.float32)
        acc = jnp.maximum(acc, h2)
    out_ref[0] = jnp.maximum(acc + b2_ref[...], 0.0)


def _mlp(gathered, query_xyz, w1dp, w2, b2):
    return pl.pallas_call(
        _mlp_body,
        grid=(1, _N // _TN),
        in_specs=[
            pl.BlockSpec((1, _K, _TN, _CMID), lambda b, t: (b, 0, t, 0)),
            pl.BlockSpec((1, _TN, 3), lambda b, t: (b, t, 0)),
            pl.BlockSpec((_CMID, 3), lambda b, t: (0, 0)),
            pl.BlockSpec((_COUT, _CMID), lambda b, t: (0, 0)),
            pl.BlockSpec((_COUT, 1), lambda b, t: (0, 0)),
        ],
        out_specs=pl.BlockSpec((1, _COUT, _TN), lambda b, t: (b, 0, t)),
        out_shape=jax.ShapeDtypeStruct((1, _COUT, _N), jnp.float32),
    )(gathered, query_xyz, w1dp, w2, b2)


@jax.jit
def kernel(query_xyz, support_xyz, features, W1, b1, W2, b2):
    w1dp = W1[:, :3]
    w1f = W1[:, 3:]
    support_t = jnp.swapaxes(support_xyz, 1, 2)
    b1r = b1.reshape(1, _CMID)
    b2r = b2.reshape(_COUT, 1)
    gather = _sc_gather_fn()

    outs = []
    for b in range(_B):
        qb = lax.slice_in_dim(query_xyz, b, b + 1, axis=0)
        table = _make_table(lax.slice_in_dim(features, b, b + 1, axis=0),
                            lax.slice_in_dim(support_xyz, b, b + 1, axis=0),
                            w1f, w1dp, b1r)
        idx = _topk(qb, lax.slice_in_dim(support_t, b, b + 1, axis=0))
        flat_idx = jnp.swapaxes(idx, 1, 2).reshape(_BT)
        g = gather(table.reshape(_M, _CMID), flat_idx)
        outs.append(_mlp(g.reshape(1, _K, _N, _CMID), qb, w1dp, W2, b2r))
    return jnp.concatenate(outs, axis=0)

# --- scband reference (transcript-rebuilt; emitter-appended) ---
"""Pipeline reference for scband-conv-pool-9208409883140 (READ-ONLY COPY).

The authoritative reference and input builder live on the scoring server;
editing this copy changes nothing except your own understanding.
"""

import jax, jax.numpy as jnp
import numpy as np

B, N, M, C, K = 4, 1024, 4096, 256, 32
C_MID, C_OUT = 256, 512


def setup_inputs(seed: int = 0) -> dict:
    key = jax.random.key(seed)
    ks = jax.random.split(key, 8)
    query_xyz = jax.random.normal(ks[0], (B, N, 3), dtype=jnp.float32)
    support_xyz = jax.random.normal(ks[1], (B, M, 3), dtype=jnp.float32)
    features = jax.random.normal(ks[2], (B, C, M), dtype=jnp.float32)
    c_in = C + 3  # CHANNEL_MAP['dp_fj'](256) = 3 + 256
    W1 = jax.random.normal(ks[3], (C_MID, c_in), dtype=jnp.float32) * (1.0 / np.sqrt(c_in))
    b1 = jnp.zeros((C_MID,), dtype=jnp.float32)
    W2 = jax.random.normal(ks[4], (C_OUT, C_MID), dtype=jnp.float32) * (1.0 / np.sqrt(C_MID))
    b2 = jnp.zeros((C_OUT,), dtype=jnp.float32)
    return {"query_xyz": query_xyz, "support_xyz": support_xyz, "features": features,
            "W1": W1, "b1": b1, "W2": W2, "b2": b2}


def _knn_group(query_xyz, support_xyz, features, k):
    # pairwise squared distances via expanded formula (B, N, M)
    qn = jnp.sum(query_xyz ** 2, axis=-1)
    sn = jnp.sum(support_xyz ** 2, axis=-1)
    d = qn[:, :, None] + sn[:, None, :] - 2.0 * jnp.einsum('bnd,bmd->bnm', query_xyz, support_xyz)
    _, idx = jax.lax.top_k(-d, k)  # (B, N, K) nearest-neighbor indices into support
    # gather neighbor coordinates: (B, N, K, 3)
    grouped_xyz = jax.vmap(lambda s, i: s[i])(support_xyz, idx)
    dp = grouped_xyz - query_xyz[:, :, None, :]
    dp = jnp.transpose(dp, (0, 3, 1, 2))  # (B, 3, N, K)
    # gather neighbor features: (B, C, N, K)
    fj = jax.vmap(lambda f, i: f[:, i])(features, idx)
    return dp, fj, idx


def reference(query_xyz, support_xyz, features, W1, b1, W2, b2):
    # grouper (knn, nsample=32)
    dp, fj, edge_index = _knn_group(query_xyz, support_xyz, features, K)
    # get_aggregation_feautres with feature_type 'dp_fj': concat relative pos + neighbor feats
    fj = jnp.concatenate([dp, fj], axis=1)  # (B, 3+C, N, K)
    # convblock2d #1: 1x1 Conv2d + ReLU (norm_args=None)
    h = jnp.einsum('oc,bcnk->bonk', W1, fj) + b1[None, :, None, None]
    h = jax.nn.relu(h)
    # convblock2d #2 (last): 1x1 Conv2d + ReLU (use_res=False so act_args kept)
    h = jnp.einsum('oc,bcnk->bonk', W2, h) + b2[None, :, None, None]
    h = jax.nn.relu(h)
    # reduction = 'max' over neighbors
    out = jnp.max(h, axis=-1)  # (B, C_OUT, N)
    return out

if __name__ == "__main__":
    import jax
    _d = setup_inputs()
    print(jax.jit(kernel)(*tuple(_d.values())))

</pallas_src>

<mosaic_0001>
#map = affine_map<(d0, d1) -> (0, 0)>
#map1 = affine_map<(d0, d1) -> (0)>
module attributes {stable_mosaic.version = 14 : i64} {
  func.func @_sc_gather_body(%arg0: i32, %arg1: i32, %arg2: memref<4096x256xf32, #tpu.memory_space<hbm>>, %arg3: memref<32768xi32, #tpu.memory_space<hbm>>, %arg4: memref<32768x256xf32, #tpu.memory_space<hbm>>, %arg5: memref<128xi32, #tpu.memory_space<vmem>>, %arg6: memref<128x256xf32, #tpu.memory_space<vmem>>, %arg7: memref<!tpu.dma_semaphore, #tpu.memory_space<semaphore_mem>>) attributes {dimension_semantics = [#tpu.dimension_semantics<core_parallel>, #tpu.dimension_semantics<subcore_parallel>], iteration_bounds = array<i64: 2, 16>, scalar_prefetch = 0 : i64, scratch_operands = 3 : i64, tpu.core_type = #tpu.core_type<sc_vector_subcore>, window_params = [{transform_indices = #map}, {transform_indices = #map1}, {transform_indices = #map}]} {
    %mul3A = arith.constant 2 : i32
    %mul3A_0 = arith.muli %arg1, %mul3A : i32
    %add3A = arith.addi %mul3A_0, %arg0 : i32
    %mul3A_1 = arith.constant 1024 : i32
    %mul3A_2 = arith.muli %add3A, %mul3A_1 : i32
    %scan3A = arith.constant 0 : i32
    %scan3A_3 = arith.constant 0 : i32
    %scan3A_4 = arith.constant 8 : i32
    %scan3A_5 = arith.addi %scan3A_3, %scan3A_4 : i32
    %scan3A_6 = arith.constant 1 : i32
    scf.for %scan3A_8 = %scan3A_3 to %scan3A_5 step %scan3A_6  : i32 {
      %mul3A_9 = arith.constant 128 : i32
      %mul3A_10 = arith.muli %scan3A_8, %mul3A_9 : i32
      %add3A_11 = arith.addi %mul3A_2, %mul3A_10 : i32
      "tpu.region"() ({
        %run_scoped3A = tpu.sem_alloc : memref<!tpu.dma_semaphore, #tpu.memory_space<semaphore_mem>>
        %dma_start3A_16 = tpu.memref_slice %arg3[%add3A_11] : memref<32768xi32, #tpu.memory_space<hbm>> -> memref<128xi32, #tpu.memory_space<hbm>>
        %dma_start3A_17 = tpu.memref_slice %arg3[%add3A_11] : memref<32768xi32, #tpu.memory_space<hbm>> -> memref<128xi32, #tpu.memory_space<hbm>>
        tpu.enqueue_dma source(%dma_start3A_17 : memref<128xi32, #tpu.memory_space<hbm>>) target(%arg5 : memref<128xi32, #tpu.memory_space<vmem>>) target_semaphore(%run_scoped3A : memref<!tpu.dma_semaphore, #tpu.memory_space<semaphore_mem>>)
        %dma_wait3A_18 = tpu.memref_slice %arg3[%add3A_11] : memref<32768xi32, #tpu.memory_space<hbm>> -> memref<128xi32, #tpu.memory_space<hbm>>
        %dma_wait3A_19 = tpu.memref_slice %arg3[%add3A_11] : memref<32768xi32, #tpu.memory_space<hbm>> -> memref<128xi32, #tpu.memory_space<hbm>>
        tpu.wait_dma2 semaphore(%run_scoped3A : memref<!tpu.dma_semaphore, #tpu.memory_space<semaphore_mem>>) src(%dma_wait3A_19 : memref<128xi32, #tpu.memory_space<hbm>>) dst(%arg5 : memref<128xi32, #tpu.memory_space<vmem>>)
        tpu.yield
      }) : () -> ()
      %dma_start3A = arith.constant 0 : i32
      %dma_start3A_12 = arith.constant 0 : i32
      %dma_start3A_13 = tpu.memref_slice %arg2[%dma_start3A, %dma_start3A_12] : memref<4096x256xf32, #tpu.memory_space<hbm>> -> memref<4096x256xf32, #tpu.memory_space<hbm>>
      tpu.enqueue_indirect_dma source(%dma_start3A_13 : memref<4096x256xf32, #tpu.memory_space<hbm>>) target(%arg6 : memref<128x256xf32, #tpu.memory_space<vmem>>) offsets(%arg5 : memref<128xi32, #tpu.memory_space<vmem>>) semaphore(%arg7 : memref<!tpu.dma_semaphore, #tpu.memory_space<semaphore_mem>>)
      %dma_wait3A = arith.constant 0 : i32
      %dma_wait3A_14 = arith.constant 0 : i32
      %dma_wait3A_15 = tpu.memref_slice %arg2[%dma_wait3A, %dma_wait3A_14] : memref<4096x256xf32, #tpu.memory_space<hbm>> -> memref<4096x256xf32, #tpu.memory_space<hbm>>
      tpu.wait_indirect_dma semaphore(%arg7 : memref<!tpu.dma_semaphore, #tpu.memory_space<semaphore_mem>>) src(%dma_wait3A_15 : memref<4096x256xf32, #tpu.memory_space<hbm>>) dst(%arg6 : memref<128x256xf32, #tpu.memory_space<vmem>>)
      "tpu.region"() ({
        %run_scoped3A = tpu.sem_alloc : memref<!tpu.dma_semaphore, #tpu.memory_space<semaphore_mem>>
        %dma_start3A_16 = arith.constant 0 : i32
        %dma_start3A_17 = tpu.memref_slice %arg4[%add3A_11, %dma_start3A_16] : memref<32768x256xf32, #tpu.memory_space<hbm>> -> memref<128x256xf32, #tpu.memory_space<hbm>>
        %dma_start3A_18 = arith.constant 0 : i32
        %dma_start3A_19 = tpu.memref_slice %arg4[%add3A_11, %dma_start3A_18] : memref<32768x256xf32, #tpu.memory_space<hbm>> -> memref<128x256xf32, #tpu.memory_space<hbm>>
        tpu.enqueue_dma source(%arg6 : memref<128x256xf32, #tpu.memory_space<vmem>>) target(%dma_start3A_19 : memref<128x256xf32, #tpu.memory_space<hbm>>) target_semaphore(%run_scoped3A : memref<!tpu.dma_semaphore, #tpu.memory_space<semaphore_mem>>)
        %dma_wait3A_20 = arith.constant 0 : i32
        %dma_wait3A_21 = tpu.memref_slice %arg4[%add3A_11, %dma_wait3A_20] : memref<32768x256xf32, #tpu.memory_space<hbm>> -> memref<128x256xf32, #tpu.memory_space<hbm>>
        %dma_wait3A_22 = arith.constant 0 : i32
        %dma_wait3A_23 = tpu.memref_slice %arg4[%add3A_11, %dma_wait3A_22] : memref<32768x256xf32, #tpu.memory_space<hbm>> -> memref<128x256xf32, #tpu.memory_space<hbm>>
        tpu.wait_dma2 semaphore(%run_scoped3A : memref<!tpu.dma_semaphore, #tpu.memory_space<semaphore_mem>>) src(%arg6 : memref<128x256xf32, #tpu.memory_space<vmem>>) dst(%dma_wait3A_23 : memref<128x256xf32, #tpu.memory_space<hbm>>)
        tpu.yield
      }) : () -> ()
    }
    %scan3A_7 = arith.constant 8 : i32
    return
  }
}

#map = affine_map<(d0, d1) -> (0, 0)>
#map1 = affine_map<(d0, d1) -> (0)>
module attributes {stable_mosaic.version = 14 : i64} {
  func.func @_sc_gather_body(%arg0: i32, %arg1: i32, %arg2: memref<4096x256xf32, #tpu.memory_space<hbm>>, %arg3: memref<32768xi32, #tpu.memory_space<hbm>>, %arg4: memref<32768x256xf32, #tpu.memory_space<hbm>>, %arg5: memref<128xi32, #tpu.memory_space<vmem>>, %arg6: memref<128x256xf32, #tpu.memory_space<vmem>>, %arg7: memref<!tpu.dma_semaphore, #tpu.memory_space<semaphore_mem>>) attributes {dimension_semantics = [#tpu.dimension_semantics<core_parallel>, #tpu.dimension_semantics<subcore_parallel>], iteration_bounds = array<i64: 2, 16>, scalar_prefetch = 0 : i64, scratch_operands = 3 : i64, tpu.core_type = #tpu.core_type<sc_vector_subcore>, window_params = [{transform_indices = #map}, {transform_indices = #map1}, {transform_indices = #map}]} {
    %mul3A = arith.constant 2 : i32
    %mul3A_0 = arith.muli %arg1, %mul3A : i32
    %add3A = arith.addi %mul3A_0, %arg0 : i32
    %mul3A_1 = arith.constant 1024 : i32
    %mul3A_2 = arith.muli %add3A, %mul3A_1 : i32
    %scan3A = arith.constant 0 : i32
    %scan3A_3 = arith.constant 0 : i32
    %scan3A_4 = arith.constant 8 : i32
    %scan3A_5 = arith.addi %scan3A_3, %scan3A_4 : i32
    %scan3A_6 = arith.constant 1 : i32
    scf.for %scan3A_8 = %scan3A_3 to %scan3A_5 step %scan3A_6  : i32 {
      %mul3A_9 = arith.constant 128 : i32
      %mul3A_10 = arith.muli %scan3A_8, %mul3A_9 : i32
      %add3A_11 = arith.addi %mul3A_2, %mul3A_10 : i32
      "tpu.region"() ({
        %run_scoped3A = tpu.sem_alloc : memref<!tpu.dma_semaphore, #tpu.memory_space<semaphore_mem>>
        %dma_start3A_16 = tpu.memref_slice %arg3[%add3A_11] : memref<32768xi32, #tpu.memory_space<hbm>> -> memref<128xi32, #tpu.memory_space<hbm>>
        %dma_start3A_17 = tpu.memref_slice %arg3[%add3A_11] : memref<32768xi32, #tpu.memory_space<hbm>> -> memref<128xi32, #tpu.memory_space<hbm>>
        tpu.enqueue_dma source(%dma_start3A_17 : memref<128xi32, #tpu.memory_space<hbm>>) target(%arg5 : memref<128xi32, #tpu.memory_space<vmem>>) target_semaphore(%run_scoped3A : memref<!tpu.dma_semaphore, #tpu.memory_space<semaphore_mem>>)
        %dma_wait3A_18 = tpu.memref_slice %arg3[%add3A_11] : memref<32768xi32, #tpu.memory_space<hbm>> -> memref<128xi32, #tpu.memory_space<hbm>>
        %dma_wait3A_19 = tpu.memref_slice %arg3[%add3A_11] : memref<32768xi32, #tpu.memory_space<hbm>> -> memref<128xi32, #tpu.memory_space<hbm>>
        tpu.wait_dma2 semaphore(%run_scoped3A : memref<!tpu.dma_semaphore, #tpu.memory_space<semaphore_mem>>) src(%dma_wait3A_19 : memref<128xi32, #tpu.memory_space<hbm>>) dst(%arg5 : memref<128xi32, #tpu.memory_space<vmem>>)
        tpu.yield
      }) : () -> ()
      %dma_start3A = arith.constant 0 : i32
      %dma_start3A_12 = arith.constant 0 : i32
      %dma_start3A_13 = tpu.memref_slice %arg2[%dma_start3A, %dma_start3A_12] : memref<4096x256xf32, #tpu.memory_space<hbm>> -> memref<4096x256xf32, #tpu.memory_space<hbm>>
      tpu.enqueue_indirect_dma source(%dma_start3A_13 : memref<4096x256xf32, #tpu.memory_space<hbm>>) target(%arg6 : memref<128x256xf32, #tpu.memory_space<vmem>>) offsets(%arg5 : memref<128xi32, #tpu.memory_space<vmem>>) semaphore(%arg7 : memref<!tpu.dma_semaphore, #tpu.memory_space<semaphore_mem>>)
      %dma_wait3A = arith.constant 0 : i32
      %dma_wait3A_14 = arith.constant 0 : i32
      %dma_wait3A_15 = tpu.memref_slice %arg2[%dma_wait3A, %dma_wait3A_14] : memref<4096x256xf32, #tpu.memory_space<hbm>> -> memref<4096x256xf32, #tpu.memory_space<hbm>>
      tpu.wait_indirect_dma semaphore(%arg7 : memref<!tpu.dma_semaphore, #tpu.memory_space<semaphore_mem>>) src(%dma_wait3A_15 : memref<4096x256xf32, #tpu.memory_space<hbm>>) dst(%arg6 : memref<128x256xf32, #tpu.memory_space<vmem>>)
      "tpu.region"() ({
        %run_scoped3A = tpu.sem_alloc : memref<!tpu.dma_semaphore, #tpu.memory_space<semaphore_mem>>
        %dma_start3A_16 = arith.constant 0 : i32
        %dma_start3A_17 = tpu.memref_slice %arg4[%add3A_11, %dma_start3A_16] : memref<32768x256xf32, #tpu.memory_space<hbm>> -> memref<128x256xf32, #tpu.memory_space<hbm>>
        %dma_start3A_18 = arith.constant 0 : i32
        %dma_start3A_19 = tpu.memref_slice %arg4[%add3A_11, %dma_start3A_18] : memref<32768x256xf32, #tpu.memory_space<hbm>> -> memref<128x256xf32, #tpu.memory_space<hbm>>
        tpu.enqueue_dma source(%arg6 : memref<128x256xf32, #tpu.memory_space<vmem>>) target(%dma_start3A_19 : memref<128x256xf32, #tpu.memory_space<hbm>>) target_semaphore(%run_scoped3A : memref<!tpu.dma_semaphore, #tpu.memory_space<semaphore_mem>>)
        %dma_wait3A_20 = arith.constant 0 : i32
        %dma_wait3A_21 = tpu.memref_slice %arg4[%add3A_11, %dma_wait3A_20] : memref<32768x256xf32, #tpu.memory_space<hbm>> -> memref<128x256xf32, #tpu.memory_space<hbm>>
        %dma_wait3A_22 = arith.constant 0 : i32
        %dma_wait3A_23 = tpu.memref_slice %arg4[%add3A_11, %dma_wait3A_22] : memref<32768x256xf32, #tpu.memory_space<hbm>> -> memref<128x256xf32, #tpu.memory_space<hbm>>
        tpu.wait_dma2 semaphore(%run_scoped3A : memref<!tpu.dma_semaphore, #tpu.memory_space<semaphore_mem>>) src(%arg6 : memref<128x256xf32, #tpu.memory_space<vmem>>) dst(%dma_wait3A_23 : memref<128x256xf32, #tpu.memory_space<hbm>>)
        tpu.yield
      }) : () -> ()
    }
    %scan3A_7 = arith.constant 8 : i32
    return
  }
}

#map = affine_map<(d0, d1) -> (0, 0)>
#map1 = affine_map<(d0, d1) -> (0)>
module attributes {stable_mosaic.version = 14 : i64} {
  func.func @_sc_gather_body(%arg0: i32, %arg1: i32, %arg2: memref<4096x256xf32, #tpu.memory_space<hbm>>, %arg3: memref<32768xi32, #tpu.memory_space<hbm>>, %arg4: memref<32768x256xf32, #tpu.memory_space<hbm>>, %arg5: memref<128xi32, #tpu.memory_space<vmem>>, %arg6: memref<128x256xf32, #tpu.memory_space<vmem>>, %arg7: memref<!tpu.dma_semaphore, #tpu.memory_space<semaphore_mem>>) attributes {dimension_semantics = [#tpu.dimension_semantics<core_parallel>, #tpu.dimension_semantics<subcore_parallel>], iteration_bounds = array<i64: 2, 16>, scalar_prefetch = 0 : i64, scratch_operands = 3 : i64, tpu.core_type = #tpu.core_type<sc_vector_subcore>, window_params = [{transform_indices = #map}, {transform_indices = #map1}, {transform_indices = #map}]} {
    %mul3A = arith.constant 2 : i32
    %mul3A_0 = arith.muli %arg1, %mul3A : i32
    %add3A = arith.addi %mul3A_0, %arg0 : i32
    %mul3A_1 = arith.constant 1024 : i32
    %mul3A_2 = arith.muli %add3A, %mul3A_1 : i32
    %scan3A = arith.constant 0 : i32
    %scan3A_3 = arith.constant 0 : i32
    %scan3A_4 = arith.constant 8 : i32
    %scan3A_5 = arith.addi %scan3A_3, %scan3A_4 : i32
    %scan3A_6 = arith.constant 1 : i32
    scf.for %scan3A_8 = %scan3A_3 to %scan3A_5 step %scan3A_6  : i32 {
      %mul3A_9 = arith.constant 128 : i32
      %mul3A_10 = arith.muli %scan3A_8, %mul3A_9 : i32
      %add3A_11 = arith.addi %mul3A_2, %mul3A_10 : i32
      "tpu.region"() ({
        %run_scoped3A = tpu.sem_alloc : memref<!tpu.dma_semaphore, #tpu.memory_space<semaphore_mem>>
        %dma_start3A_16 = tpu.memref_slice %arg3[%add3A_11] : memref<32768xi32, #tpu.memory_space<hbm>> -> memref<128xi32, #tpu.memory_space<hbm>>
        %dma_start3A_17 = tpu.memref_slice %arg3[%add3A_11] : memref<32768xi32, #tpu.memory_space<hbm>> -> memref<128xi32, #tpu.memory_space<hbm>>
        tpu.enqueue_dma source(%dma_start3A_17 : memref<128xi32, #tpu.memory_space<hbm>>) target(%arg5 : memref<128xi32, #tpu.memory_space<vmem>>) target_semaphore(%run_scoped3A : memref<!tpu.dma_semaphore, #tpu.memory_space<semaphore_mem>>)
        %dma_wait3A_18 = tpu.memref_slice %arg3[%add3A_11] : memref<32768xi32, #tpu.memory_space<hbm>> -> memref<128xi32, #tpu.memory_space<hbm>>
        %dma_wait3A_19 = tpu.memref_slice %arg3[%add3A_11] : memref<32768xi32, #tpu.memory_space<hbm>> -> memref<128xi32, #tpu.memory_space<hbm>>
        tpu.wait_dma2 semaphore(%run_scoped3A : memref<!tpu.dma_semaphore, #tpu.memory_space<semaphore_mem>>) src(%dma_wait3A_19 : memref<128xi32, #tpu.memory_space<hbm>>) dst(%arg5 : memref<128xi32, #tpu.memory_space<vmem>>)
        tpu.yield
      }) : () -> ()
      %dma_start3A = arith.constant 0 : i32
      %dma_start3A_12 = arith.constant 0 : i32
      %dma_start3A_13 = tpu.memref_slice %arg2[%dma_start3A, %dma_start3A_12] : memref<4096x256xf32, #tpu.memory_space<hbm>> -> memref<4096x256xf32, #tpu.memory_space<hbm>>
      tpu.enqueue_indirect_dma source(%dma_start3A_13 : memref<4096x256xf32, #tpu.memory_space<hbm>>) target(%arg6 : memref<128x256xf32, #tpu.memory_space<vmem>>) offsets(%arg5 : memref<128xi32, #tpu.memory_space<vmem>>) semaphore(%arg7 : memref<!tpu.dma_semaphore, #tpu.memory_space<semaphore_mem>>)
      %dma_wait3A = arith.constant 0 : i32
      %dma_wait3A_14 = arith.constant 0 : i32
      %dma_wait3A_15 = tpu.memref_slice %arg2[%dma_wait3A, %dma_wait3A_14] : memref<4096x256xf32, #tpu.memory_space<hbm>> -> memref<4096x256xf32, #tpu.memory_space<hbm>>
      tpu.wait_indirect_dma semaphore(%arg7 : memref<!tpu.dma_semaphore, #tpu.memory_space<semaphore_mem>>) src(%dma_wait3A_15 : memref<4096x256xf32, #tpu.memory_space<hbm>>) dst(%arg6 : memref<128x256xf32, #tpu.memory_space<vmem>>)
      "tpu.region"() ({
        %run_scoped3A = tpu.sem_alloc : memref<!tpu.dma_semaphore, #tpu.memory_space<semaphore_mem>>
        %dma_start3A_16 = arith.constant 0 : i32
        %dma_start3A_17 = tpu.memref_slice %arg4[%add3A_11, %dma_start3A_16] : memref<32768x256xf32, #tpu.memory_space<hbm>> -> memref<128x256xf32, #tpu.memory_space<hbm>>
        %dma_start3A_18 = arith.constant 0 : i32
        %dma_start3A_19 = tpu.memref_slice %arg4[%add3A_11, %dma_start3A_18] : memref<32768x256xf32, #tpu.memory_space<hbm>> -> memref<128x256xf32, #tpu.memory_space<hbm>>
        tpu.enqueue_dma source(%arg6 : memref<128x256xf32, #tpu.memory_space<vmem>>) target(%dma_start3A_19 : memref<128x256xf32, #tpu.memory_space<hbm>>) target_semaphore(%run_scoped3A : memref<!tpu.dma_semaphore, #tpu.memory_space<semaphore_mem>>)
        %dma_wait3A_20 = arith.constant 0 : i32
        %dma_wait3A_21 = tpu.memref_slice %arg4[%add3A_11, %dma_wait3A_20] : memref<32768x256xf32, #tpu.memory_space<hbm>> -> memref<128x256xf32, #tpu.memory_space<hbm>>
        %dma_wait3A_22 = arith.constant 0 : i32
        %dma_wait3A_23 = tpu.memref_slice %arg4[%add3A_11, %dma_wait3A_22] : memref<32768x256xf32, #tpu.memory_space<hbm>> -> memref<128x256xf32, #tpu.memory_space<hbm>>
        tpu.wait_dma2 semaphore(%run_scoped3A : memref<!tpu.dma_semaphore, #tpu.memory_space<semaphore_mem>>) src(%arg6 : memref<128x256xf32, #tpu.memory_space<vmem>>) dst(%dma_wait3A_23 : memref<128x256xf32, #tpu.memory_space<hbm>>)
        tpu.yield
      }) : () -> ()
    }
    %scan3A_7 = arith.constant 8 : i32
    return
  }
}

#map = affine_map<(d0, d1) -> (0, 0)>
#map1 = affine_map<(d0, d1) -> (0)>
module attributes {stable_mosaic.version = 14 : i64} {
  func.func @_sc_gather_body(%arg0: i32, %arg1: i32, %arg2: memref<4096x256xf32, #tpu.memory_space<hbm>>, %arg3: memref<32768xi32, #tpu.memory_space<hbm>>, %arg4: memref<32768x256xf32, #tpu.memory_space<hbm>>, %arg5: memref<128xi32, #tpu.memory_space<vmem>>, %arg6: memref<128x256xf32, #tpu.memory_space<vmem>>, %arg7: memref<!tpu.dma_semaphore, #tpu.memory_space<semaphore_mem>>) attributes {dimension_semantics = [#tpu.dimension_semantics<core_parallel>, #tpu.dimension_semantics<subcore_parallel>], iteration_bounds = array<i64: 2, 16>, scalar_prefetch = 0 : i64, scratch_operands = 3 : i64, tpu.core_type = #tpu.core_type<sc_vector_subcore>, window_params = [{transform_indices = #map}, {transform_indices = #map1}, {transform_indices = #map}]} {
    %mul3A = arith.constant 2 : i32
    %mul3A_0 = arith.muli %arg1, %mul3A : i32
    %add3A = arith.addi %mul3A_0, %arg0 : i32
    %mul3A_1 = arith.constant 1024 : i32
    %mul3A_2 = arith.muli %add3A, %mul3A_1 : i32
    %scan3A = arith.constant 0 : i32
    %scan3A_3 = arith.constant 0 : i32
    %scan3A_4 = arith.constant 8 : i32
    %scan3A_5 = arith.addi %scan3A_3, %scan3A_4 : i32
    %scan3A_6 = arith.constant 1 : i32
    scf.for %scan3A_8 = %scan3A_3 to %scan3A_5 step %scan3A_6  : i32 {
      %mul3A_9 = arith.constant 128 : i32
      %mul3A_10 = arith.muli %scan3A_8, %mul3A_9 : i32
      %add3A_11 = arith.addi %mul3A_2, %mul3A_10 : i32
      "tpu.region"() ({
        %run_scoped3A = tpu.sem_alloc : memref<!tpu.dma_semaphore, #tpu.memory_space<semaphore_mem>>
        %dma_start3A_16 = tpu.memref_slice %arg3[%add3A_11] : memref<32768xi32, #tpu.memory_space<hbm>> -> memref<128xi32, #tpu.memory_space<hbm>>
        %dma_start3A_17 = tpu.memref_slice %arg3[%add3A_11] : memref<32768xi32, #tpu.memory_space<hbm>> -> memref<128xi32, #tpu.memory_space<hbm>>
        tpu.enqueue_dma source(%dma_start3A_17 : memref<128xi32, #tpu.memory_space<hbm>>) target(%arg5 : memref<128xi32, #tpu.memory_space<vmem>>) target_semaphore(%run_scoped3A : memref<!tpu.dma_semaphore, #tpu.memory_space<semaphore_mem>>)
        %dma_wait3A_18 = tpu.memref_slice %arg3[%add3A_11] : memref<32768xi32, #tpu.memory_space<hbm>> -> memref<128xi32, #tpu.memory_space<hbm>>
        %dma_wait3A_19 = tpu.memref_slice %arg3[%add3A_11] : memref<32768xi32, #tpu.memory_space<hbm>> -> memref<128xi32, #tpu.memory_space<hbm>>
        tpu.wait_dma2 semaphore(%run_scoped3A : memref<!tpu.dma_semaphore, #tpu.memory_space<semaphore_mem>>) src(%dma_wait3A_19 : memref<128xi32, #tpu.memory_space<hbm>>) dst(%arg5 : memref<128xi32, #tpu.memory_space<vmem>>)
        tpu.yield
      }) : () -> ()
      %dma_start3A = arith.constant 0 : i32
      %dma_start3A_12 = arith.constant 0 : i32
      %dma_start3A_13 = tpu.memref_slice %arg2[%dma_start3A, %dma_start3A_12] : memref<4096x256xf32, #tpu.memory_space<hbm>> -> memref<4096x256xf32, #tpu.memory_space<hbm>>
      tpu.enqueue_indirect_dma source(%dma_start3A_13 : memref<4096x256xf32, #tpu.memory_space<hbm>>) target(%arg6 : memref<128x256xf32, #tpu.memory_space<vmem>>) offsets(%arg5 : memref<128xi32, #tpu.memory_space<vmem>>) semaphore(%arg7 : memref<!tpu.dma_semaphore, #tpu.memory_space<semaphore_mem>>)
      %dma_wait3A = arith.constant 0 : i32
      %dma_wait3A_14 = arith.constant 0 : i32
      %dma_wait3A_15 = tpu.memref_slice %arg2[%dma_wait3A, %dma_wait3A_14] : memref<4096x256xf32, #tpu.memory_space<hbm>> -> memref<4096x256xf32, #tpu.memory_space<hbm>>
      tpu.wait_indirect_dma semaphore(%arg7 : memref<!tpu.dma_semaphore, #tpu.memory_space<semaphore_mem>>) src(%dma_wait3A_15 : memref<4096x256xf32, #tpu.memory_space<hbm>>) dst(%arg6 : memref<128x256xf32, #tpu.memory_space<vmem>>)
      "tpu.region"() ({
        %run_scoped3A = tpu.sem_alloc : memref<!tpu.dma_semaphore, #tpu.memory_space<semaphore_mem>>
        %dma_start3A_16 = arith.constant 0 : i32
        %dma_start3A_17 = tpu.memref_slice %arg4[%add3A_11, %dma_start3A_16] : memref<32768x256xf32, #tpu.memory_space<hbm>> -> memref<128x256xf32, #tpu.memory_space<hbm>>
        %dma_start3A_18 = arith.constant 0 : i32
        %dma_start3A_19 = tpu.memref_slice %arg4[%add3A_11, %dma_start3A_18] : memref<32768x256xf32, #tpu.memory_space<hbm>> -> memref<128x256xf32, #tpu.memory_space<hbm>>
        tpu.enqueue_dma source(%arg6 : memref<128x256xf32, #tpu.memory_space<vmem>>) target(%dma_start3A_19 : memref<128x256xf32, #tpu.memory_space<hbm>>) target_semaphore(%run_scoped3A : memref<!tpu.dma_semaphore, #tpu.memory_space<semaphore_mem>>)
        %dma_wait3A_20 = arith.constant 0 : i32
        %dma_wait3A_21 = tpu.memref_slice %arg4[%add3A_11, %dma_wait3A_20] : memref<32768x256xf32, #tpu.memory_space<hbm>> -> memref<128x256xf32, #tpu.memory_space<hbm>>
        %dma_wait3A_22 = arith.constant 0 : i32
        %dma_wait3A_23 = tpu.memref_slice %arg4[%add3A_11, %dma_wait3A_22] : memref<32768x256xf32, #tpu.memory_space<hbm>> -> memref<128x256xf32, #tpu.memory_space<hbm>>
        tpu.wait_dma2 semaphore(%run_scoped3A : memref<!tpu.dma_semaphore, #tpu.memory_space<semaphore_mem>>) src(%arg6 : memref<128x256xf32, #tpu.memory_space<vmem>>) dst(%dma_wait3A_23 : memref<128x256xf32, #tpu.memory_space<hbm>>)
        tpu.yield
      }) : () -> ()
    }
    %scan3A_7 = arith.constant 8 : i32
    return
  }
}

module attributes {stable_mosaic.version = 14 : i64} {
  func.func @_topk_body(%arg0: i32, %arg1: i32, %arg2: memref<1x128x3xf32, #tpu.memory_space<vmem>>, %arg3: memref<1x3x4096xf32, #tpu.memory_space<vmem>>, %arg4: memref<1x128x32xi32, #tpu.memory_space<vmem>>) attributes {dimension_semantics = [#tpu.dimension_semantics<arbitrary>, #tpu.dimension_semantics<arbitrary>], iteration_bounds = array<i64: 1, 8>, scalar_prefetch = 0 : i64, scratch_operands = 0 : i64, tpu.core_type = #tpu.core_type<tc>, window_params = [{transform_indices = @transform_0, window_bounds = array<i64: 1, 128, 3>}, {transform_indices = @transform_1, window_bounds = array<i64: 1, 3, 4096>}, {transform_indices = @transform_2, window_bounds = array<i64: 1, 128, 32>}]} {
    %get3A = arith.constant 0 : index
    %get3A_0 = arith.constant 0 : index
    %get3A_1 = arith.constant 0 : index
    %get3A_2 = vector.load %arg2[%get3A, %get3A_0, %get3A_1] : memref<1x128x3xf32, #tpu.memory_space<vmem>>, vector<1x128x3xf32>
    %get3A_3 = vector.shape_cast %get3A_2 : vector<1x128x3xf32> to vector<128x3xf32>
    %get3A_4 = arith.constant 0 : index
    %get3A_5 = arith.constant 0 : index
    %get3A_6 = arith.constant 0 : index
    %get3A_7 = vector.load %arg3[%get3A_4, %get3A_5, %get3A_6] : memref<1x3x4096xf32, #tpu.memory_space<vmem>>, vector<1x3x4096xf32>
    %get3A_8 = vector.shape_cast %get3A_7 : vector<1x3x4096xf32> to vector<3x4096xf32>
    %mul3A = arith.mulf %get3A_3, %get3A_3 : vector<128x3xf32>
    %reduce_sum3A = arith.constant dense<0.000000e+00> : vector<128xf32>
    %reduce_sum3A_9 = vector.multi_reduction <add>, %mul3A, %reduce_sum3A [1] : vector<128x3xf32> to vector<128xf32>
    %broadcast_in_dim3A = vector.shape_cast %reduce_sum3A_9 : vector<128xf32> to vector<128x1xf32>
    %mul3A_10 = arith.mulf %get3A_8, %get3A_8 : vector<3x4096xf32>
    %reduce_sum3A_11 = arith.constant dense<0.000000e+00> : vector<4096xf32>
    %reduce_sum3A_12 = vector.multi_reduction <add>, %mul3A_10, %reduce_sum3A_11 [0] : vector<3x4096xf32> to vector<4096xf32>
    %broadcast_in_dim3A_13 = vector.shape_cast %reduce_sum3A_12 : vector<4096xf32> to vector<1x4096xf32>
    %dot_general3A = arith.constant dense<0.000000e+00> : vector<128x4096xf32>
    %dot_general3A_14 = tpu.matmul %get3A_3, %get3A_8, %dot_general3A {dimension_numbers = #tpu.dot_dimension_numbers<[1], [0], [0], [1], [0, 0, 1, 1], [], []>, transpose_lhs_hint = false} : vector<128x3xf32>, vector<3x4096xf32>, vector<128x4096xf32> -> vector<128x4096xf32>
    %add3A = vector.broadcast %broadcast_in_dim3A : vector<128x1xf32> to vector<128x4096xf32>
    %add3A_15 = vector.broadcast %broadcast_in_dim3A_13 : vector<1x4096xf32> to vector<128x4096xf32>
    %add3A_16 = arith.addf %add3A, %add3A_15 : vector<128x4096xf32>
    %mul3A_17 = arith.constant 2.000000e+00 : f32
    %mul3A_18 = vector.broadcast %mul3A_17 : f32 to vector<128x4096xf32>
    %mul3A_19 = arith.mulf %mul3A_18, %dot_general3A_14 : vector<128x4096xf32>
    %sub3A = arith.subf %add3A_16, %mul3A_19 : vector<128x4096xf32>
    %max3A = arith.constant 0.000000e+00 : f32
    %max3A_20 = vector.broadcast %max3A : f32 to vector<128x4096xf32>
    %max3A_21 = arith.maximumf %sub3A, %max3A_20 : vector<128x4096xf32>
    %bitcast_convert_type3A = tpu.bitcast %max3A_21 : vector<128x4096xf32> -> vector<128x4096xi32>
    %iota3A = tpu.iota {dimensions = array<i32: 1>} : vector<128x4096xi32>
    %and3A = arith.constant -4096 : i32
    %and3A_22 = vector.broadcast %and3A : i32 to vector<128x4096xi32>
    %and3A_23 = arith.andi %bitcast_convert_type3A, %and3A_22 : vector<128x4096xi32>
    %or3A = arith.ori %and3A_23, %iota3A : vector<128x4096xi32>
    %reduce_min3A = arith.constant dense<2147483647> : vector<128xi32>
    %reduce_min3A_24 = vector.multi_reduction <minsi>, %or3A, %reduce_min3A [1] : vector<128x4096xi32> to vector<128xi32>
    %broadcast_in_dim3A_25 = vector.shape_cast %reduce_min3A_24 : vector<128xi32> to vector<128x1xi32>
    %add3A_26 = arith.constant -2147483647 : i32
    %add3A_27 = vector.broadcast %add3A_26 : i32 to vector<128x1xi32>
    %add3A_28 = arith.addi %broadcast_in_dim3A_25, %add3A_27 : vector<128x1xi32>
    %sub3A_29 = vector.broadcast %add3A_28 : vector<128x1xi32> to vector<128x4096xi32>
    %sub3A_30 = arith.subi %or3A, %sub3A_29 : vector<128x4096xi32>
    %reduce_min3A_31 = arith.constant dense<2147483647> : vector<128xi32>
    %reduce_min3A_32 = vector.multi_reduction <minsi>, %sub3A_30, %reduce_min3A_31 [1] : vector<128x4096xi32> to vector<128xi32>
    %broadcast_in_dim3A_33 = vector.shape_cast %reduce_min3A_32 : vector<128xi32> to vector<128x1xi32>
    %add3A_34 = arith.addi %add3A_28, %broadcast_in_dim3A_33 : vector<128x1xi32>
    %add3A_35 = arith.constant -2147483647 : i32
    %add3A_36 = vector.broadcast %add3A_35 : i32 to vector<128x1xi32>
    %add3A_37 = arith.addi %add3A_34, %add3A_36 : vector<128x1xi32>
    %sub3A_38 = vector.broadcast %add3A_37 : vector<128x1xi32> to vector<128x4096xi32>
    %sub3A_39 = arith.subi %or3A, %sub3A_38 : vector<128x4096xi32>
    %reduce_min3A_40 = arith.constant dense<2147483647> : vector<128xi32>
    %reduce_min3A_41 = vector.multi_reduction <minsi>, %sub3A_39, %reduce_min3A_40 [1] : vector<128x4096xi32> to vector<128xi32>
    %broadcast_in_dim3A_42 = vector.shape_cast %reduce_min3A_41 : vector<128xi32> to vector<128x1xi32>
    %add3A_43 = arith.addi %add3A_37, %broadcast_in_dim3A_42 : vector<128x1xi32>
    %add3A_44 = arith.constant -2147483647 : i32
    %add3A_45 = vector.broadcast %add3A_44 : i32 to vector<128x1xi32>
    %add3A_46 = arith.addi %add3A_43, %add3A_45 : vector<128x1xi32>
    %sub3A_47 = vector.broadcast %add3A_46 : vector<128x1xi32> to vector<128x4096xi32>
    %sub3A_48 = arith.subi %or3A, %sub3A_47 : vector<128x4096xi32>
    %reduce_min3A_49 = arith.constant dense<2147483647> : vector<128xi32>
    %reduce_min3A_50 = vector.multi_reduction <minsi>, %sub3A_48, %reduce_min3A_49 [1] : vector<128x4096xi32> to vector<128xi32>
    %broadcast_in_dim3A_51 = vector.shape_cast %reduce_min3A_50 : vector<128xi32> to vector<128x1xi32>
    %add3A_52 = arith.addi %add3A_46, %broadcast_in_dim3A_51 : vector<128x1xi32>
    %add3A_53 = arith.constant -2147483647 : i32
    %add3A_54 = vector.broadcast %add3A_53 : i32 to vector<128x1xi32>
    %add3A_55 = arith.addi %add3A_52, %add3A_54 : vector<128x1xi32>
    %sub3A_56 = vector.broadcast %add3A_55 : vector<128x1xi32> to vector<128x4096xi32>
    %sub3A_57 = arith.subi %or3A, %sub3A_56 : vector<128x4096xi32>
    %reduce_min3A_58 = arith.constant dense<2147483647> : vector<128xi32>
    %reduce_min3A_59 = vector.multi_reduction <minsi>, %sub3A_57, %reduce_min3A_58 [1] : vector<128x4096xi32> to vector<128xi32>
    %broadcast_in_dim3A_60 = vector.shape_cast %reduce_min3A_59 : vector<128xi32> to vector<128x1xi32>
    %add3A_61 = arith.addi %add3A_55, %broadcast_in_dim3A_60 : vector<128x1xi32>
    %add3A_62 = arith.constant -2147483647 : i32
    %add3A_63 = vector.broadcast %add3A_62 : i32 to vector<128x1xi32>
    %add3A_64 = arith.addi %add3A_61, %add3A_63 : vector<128x1xi32>
    %sub3A_65 = vector.broadcast %add3A_64 : vector<128x1xi32> to vector<128x4096xi32>
    %sub3A_66 = arith.subi %or3A, %sub3A_65 : vector<128x4096xi32>
    %reduce_min3A_67 = arith.constant dense<2147483647> : vector<128xi32>
    %reduce_min3A_68 = vector.multi_reduction <minsi>, %sub3A_66, %reduce_min3A_67 [1] : vector<128x4096xi32> to vector<128xi32>
    %broadcast_in_dim3A_69 = vector.shape_cast %reduce_min3A_68 : vector<128xi32> to vector<128x1xi32>
    %add3A_70 = arith.addi %add3A_64, %broadcast_in_dim3A_69 : vector<128x1xi32>
    %add3A_71 = arith.constant -2147483647 : i32
    %add3A_72 = vector.broadcast %add3A_71 : i32 to vector<128x1xi32>
    %add3A_73 = arith.addi %add3A_70, %add3A_72 : vector<128x1xi32>
    %sub3A_74 = vector.broadcast %add3A_73 : vector<128x1xi32> to vector<128x4096xi32>
    %sub3A_75 = arith.subi %or3A, %sub3A_74 : vector<128x4096xi32>
    %reduce_min3A_76 = arith.constant dense<2147483647> : vector<128xi32>
    %reduce_min3A_77 = vector.multi_reduction <minsi>, %sub3A_75, %reduce_min3A_76 [1] : vector<128x4096xi32> to vector<128xi32>
    %broadcast_in_dim3A_78 = vector.shape_cast %reduce_min3A_77 : vector<128xi32> to vector<128x1xi32>
    %add3A_79 = arith.addi %add3A_73, %broadcast_in_dim3A_78 : vector<128x1xi32>
    %add3A_80 = arith.constant -2147483647 : i32
    %add3A_81 = vector.broadcast %add3A_80 : i32 to vector<128x1xi32>
    %add3A_82 = arith.addi %add3A_79, %add3A_81 : vector<128x1xi32>
    %sub3A_83 = vector.broadcast %add3A_82 : vector<128x1xi32> to vector<128x4096xi32>
    %sub3A_84 = arith.subi %or3A, %sub3A_83 : vector<128x4096xi32>
    %reduce_min3A_85 = arith.constant dense<2147483647> : vector<128xi32>
    %reduce_min3A_86 = vector.multi_reduction <minsi>, %sub3A_84, %reduce_min3A_85 [1] : vector<128x4096xi32> to vector<128xi32>
    %broadcast_in_dim3A_87 = vector.shape_cast %reduce_min3A_86 : vector<128xi32> to vector<128x1xi32>
    %add3A_88 = arith.addi %add3A_82, %broadcast_in_dim3A_87 : vector<128x1xi32>
    %add3A_89 = arith.constant -2147483647 : i32
    %add3A_90 = vector.broadcast %add3A_89 : i32 to vector<128x1xi32>
    %add3A_91 = arith.addi %add3A_88, %add3A_90 : vector<128x1xi32>
    %sub3A_92 = vector.broadcast %add3A_91 : vector<128x1xi32> to vector<128x4096xi32>
    %sub3A_93 = arith.subi %or3A, %sub3A_92 : vector<128x4096xi32>
    %reduce_min3A_94 = arith.constant dense<2147483647> : vector<128xi32>
    %reduce_min3A_95 = vector.multi_reduction <minsi>, %sub3A_93, %reduce_min3A_94 [1] : vector<128x4096xi32> to vector<128xi32>
    %broadcast_in_dim3A_96 = vector.shape_cast %reduce_min3A_95 : vector<128xi32> to vector<128x1xi32>
    %add3A_97 = arith.addi %add3A_91, %broadcast_in_dim3A_96 : vector<128x1xi32>
    %add3A_98 = arith.constant -2147483647 : i32
    %add3A_99 = vector.broadcast %add3A_98 : i32 to vector<128x1xi32>
    %add3A_100 = arith.addi %add3A_97, %add3A_99 : vector<128x1xi32>
    %sub3A_101 = vector.broadcast %add3A_100 : vector<128x1xi32> to vector<128x4096xi32>
    %sub3A_102 = arith.subi %or3A, %sub3A_101 : vector<128x4096xi32>
    %reduce_min3A_103 = arith.constant dense<2147483647> : vector<128xi32>
    %reduce_min3A_104 = vector.multi_reduction <minsi>, %sub3A_102, %reduce_min3A_103 [1] : vector<128x4096xi32> to vector<128xi32>
    %broadcast_in_dim3A_105 = vector.shape_cast %reduce_min3A_104 : vector<128xi32> to vector<128x1xi32>
    %add3A_106 = arith.addi %add3A_100, %broadcast_in_dim3A_105 : vector<128x1xi32>
    %add3A_107 = arith.constant -2147483647 : i32
    %add3A_108 = vector.broadcast %add3A_107 : i32 to vector<128x1xi32>
    %add3A_109 = arith.addi %add3A_106, %add3A_108 : vector<128x1xi32>
    %sub3A_110 = vector.broadcast %add3A_109 : vector<128x1xi32> to vector<128x4096xi32>
    %sub3A_111 = arith.subi %or3A, %sub3A_110 : vector<128x4096xi32>
    %reduce_min3A_112 = arith.constant dense<2147483647> : vector<128xi32>
    %reduce_min3A_113 = vector.multi_reduction <minsi>, %sub3A_111, %reduce_min3A_112 [1] : vector<128x4096xi32> to vector<128xi32>
    %broadcast_in_dim3A_114 = vector.shape_cast %reduce_min3A_113 : vector<128xi32> to vector<128x1xi32>
    %add3A_115 = arith.addi %add3A_109, %broadcast_in_dim3A_114 : vector<128x1xi32>
    %add3A_116 = arith.constant -2147483647 : i32
    %add3A_117 = vector.broadcast %add3A_116 : i32 to vector<128x1xi32>
    %add3A_118 = arith.addi %add3A_115, %add3A_117 : vector<128x1xi32>
    %sub3A_119 = vector.broadcast %add3A_118 : vector<128x1xi32> to vector<128x4096xi32>
    %sub3A_120 = arith.subi %or3A, %sub3A_119 : vector<128x4096xi32>
    %reduce_min3A_121 = arith.constant dense<2147483647> : vector<128xi32>
    %reduce_min3A_122 = vector.multi_reduction <minsi>, %sub3A_120, %reduce_min3A_121 [1] : vector<128x4096xi32> to vector<128xi32>
    %broadcast_in_dim3A_123 = vector.shape_cast %reduce_min3A_122 : vector<128xi32> to vector<128x1xi32>
    %add3A_124 = arith.addi %add3A_118, %broadcast_in_dim3A_123 : vector<128x1xi32>
    %add3A_125 = arith.constant -2147483647 : i32
    %add3A_126 = vector.broadcast %add3A_125 : i32 to vector<128x1xi32>
    %add3A_127 = arith.addi %add3A_124, %add3A_126 : vector<128x1xi32>
    %sub3A_128 = vector.broadcast %add3A_127 : vector<128x1xi32> to vector<128x4096xi32>
    %sub3A_129 = arith.subi %or3A, %sub3A_128 : vector<128x4096xi32>
    %reduce_min3A_130 = arith.constant dense<2147483647> : vector<128xi32>
    %reduce_min3A_131 = vector.multi_reduction <minsi>, %sub3A_129, %reduce_min3A_130 [1] : vector<128x4096xi32> to vector<128xi32>
    %broadcast_in_dim3A_132 = vector.shape_cast %reduce_min3A_131 : vector<128xi32> to vector<128x1xi32>
    %add3A_133 = arith.addi %add3A_127, %broadcast_in_dim3A_132 : vector<128x1xi32>
    %add3A_134 = arith.constant -2147483647 : i32
    %add3A_135 = vector.broadcast %add3A_134 : i32 to vector<128x1xi32>
    %add3A_136 = arith.addi %add3A_133, %add3A_135 : vector<128x1xi32>
    %sub3A_137 = vector.broadcast %add3A_136 : vector<128x1xi32> to vector<128x4096xi32>
    %sub3A_138 = arith.subi %or3A, %sub3A_137 : vector<128x4096xi32>
    %reduce_min3A_139 = arith.constant dense<2147483647> : vector<128xi32>
    %reduce_min3A_140 = vector.multi_reduction <minsi>, %sub3A_138, %reduce_min3A_139 [1] : vector<128x4096xi32> to vector<128xi32>
    %broadcast_in_dim3A_141 = vector.shape_cast %reduce_min3A_140 : vector<128xi32> to vector<128x1xi32>
    %add3A_142 = arith.addi %add3A_136, %broadcast_in_dim3A_141 : vector<128x1xi32>
    %add3A_143 = arith.constant -2147483647 : i32
    %add3A_144 = vector.broadcast %add3A_143 : i32 to vector<128x1xi32>
    %add3A_145 = arith.addi %add3A_142, %add3A_144 : vector<128x1xi32>
    %sub3A_146 = vector.broadcast %add3A_145 : vector<128x1xi32> to vector<128x4096xi32>
    %sub3A_147 = arith.subi %or3A, %sub3A_146 : vector<128x4096xi32>
    %reduce_min3A_148 = arith.constant dense<2147483647> : vector<128xi32>
    %reduce_min3A_149 = vector.multi_reduction <minsi>, %sub3A_147, %reduce_min3A_148 [1] : vector<128x4096xi32> to vector<128xi32>
    %broadcast_in_dim3A_150 = vector.shape_cast %reduce_min3A_149 : vector<128xi32> to vector<128x1xi32>
    %add3A_151 = arith.addi %add3A_145, %broadcast_in_dim3A_150 : vector<128x1xi32>
    %add3A_152 = arith.constant -2147483647 : i32
    %add3A_153 = vector.broadcast %add3A_152 : i32 to vector<128x1xi32>
    %add3A_154 = arith.addi %add3A_151, %add3A_153 : vector<128x1xi32>
    %sub3A_155 = vector.broadcast %add3A_154 : vector<128x1xi32> to vector<128x4096xi32>
    %sub3A_156 = arith.subi %or3A, %sub3A_155 : vector<128x4096xi32>
    %reduce_min3A_157 = arith.constant dense<2147483647> : vector<128xi32>
    %reduce_min3A_158 = vector.multi_reduction <minsi>, %sub3A_156, %reduce_min3A_157 [1] : vector<128x4096xi32> to vector<128xi32>
    %broadcast_in_dim3A_159 = vector.shape_cast %reduce_min3A_158 : vector<128xi32> to vector<128x1xi32>
    %add3A_160 = arith.addi %add3A_154, %broadcast_in_dim3A_159 : vector<128x1xi32>
    %add3A_161 = arith.constant -2147483647 : i32
    %add3A_162 = vector.broadcast %add3A_161 : i32 to vector<128x1xi32>
    %add3A_163 = arith.addi %add3A_160, %add3A_162 : vector<128x1xi32>
    %sub3A_164 = vector.broadcast %add3A_163 : vector<128x1xi32> to vector<128x4096xi32>
    %sub3A_165 = arith.subi %or3A, %sub3A_164 : vector<128x4096xi32>
    %reduce_min3A_166 = arith.constant dense<2147483647> : vector<128xi32>
    %reduce_min3A_167 = vector.multi_reduction <minsi>, %sub3A_165, %reduce_min3A_166 [1] : vector<128x4096xi32> to vector<128xi32>
    %broadcast_in_dim3A_168 = vector.shape_cast %reduce_min3A_167 : vector<128xi32> to vector<128x1xi32>
    %add3A_169 = arith.addi %add3A_163, %broadcast_in_dim3A_168 : vector<128x1xi32>
    %add3A_170 = arith.constant -2147483647 : i32
    %add3A_171 = vector.broadcast %add3A_170 : i32 to vector<128x1xi32>
    %add3A_172 = arith.addi %add3A_169, %add3A_171 : vector<128x1xi32>
    %sub3A_173 = vector.broadcast %add3A_172 : vector<128x1xi32> to vector<128x4096xi32>
    %sub3A_174 = arith.subi %or3A, %sub3A_173 : vector<128x4096xi32>
    %reduce_min3A_175 = arith.constant dense<2147483647> : vector<128xi32>
    %reduce_min3A_176 = vector.multi_reduction <minsi>, %sub3A_174, %reduce_min3A_175 [1] : vector<128x4096xi32> to vector<128xi32>
    %broadcast_in_dim3A_177 = vector.shape_cast %reduce_min3A_176 : vector<128xi32> to vector<128x1xi32>
    %add3A_178 = arith.addi %add3A_172, %broadcast_in_dim3A_177 : vector<128x1xi32>
    %add3A_179 = arith.constant -2147483647 : i32
    %add3A_180 = vector.broadcast %add3A_179 : i32 to vector<128x1xi32>
    %add3A_181 = arith.addi %add3A_178, %add3A_180 : vector<128x1xi32>
    %sub3A_182 = vector.broadcast %add3A_181 : vector<128x1xi32> to vector<128x4096xi32>
    %sub3A_183 = arith.subi %or3A, %sub3A_182 : vector<128x4096xi32>
    %reduce_min3A_184 = arith.constant dense<2147483647> : vector<128xi32>
    %reduce_min3A_185 = vector.multi_reduction <minsi>, %sub3A_183, %reduce_min3A_184 [1] : vector<128x4096xi32> to vector<128xi32>
    %broadcast_in_dim3A_186 = vector.shape_cast %reduce_min3A_185 : vector<128xi32> to vector<128x1xi32>
    %add3A_187 = arith.addi %add3A_181, %broadcast_in_dim3A_186 : vector<128x1xi32>
    %add3A_188 = arith.constant -2147483647 : i32
    %add3A_189 = vector.broadcast %add3A_188 : i32 to vector<128x1xi32>
    %add3A_190 = arith.addi %add3A_187, %add3A_189 : vector<128x1xi32>
    %sub3A_191 = vector.broadcast %add3A_190 : vector<128x1xi32> to vector<128x4096xi32>
    %sub3A_192 = arith.subi %or3A, %sub3A_191 : vector<128x4096xi32>
    %reduce_min3A_193 = arith.constant dense<2147483647> : vector<128xi32>
    %reduce_min3A_194 = vector.multi_reduction <minsi>, %sub3A_192, %reduce_min3A_193 [1] : vector<128x4096xi32> to vector<128xi32>
    %broadcast_in_dim3A_195 = vector.shape_cast %reduce_min3A_194 : vector<128xi32> to vector<128x1xi32>
    %add3A_196 = arith.addi %add3A_190, %broadcast_in_dim3A_195 : vector<128x1xi32>
    %add3A_197 = arith.constant -2147483647 : i32
    %add3A_198 = vector.broadcast %add3A_197 : i32 to vector<128x1xi32>
    %add3A_199 = arith.addi %add3A_196, %add3A_198 : vector<128x1xi32>
    %sub3A_200 = vector.broadcast %add3A_199 : vector<128x1xi32> to vector<128x4096xi32>
    %sub3A_201 = arith.subi %or3A, %sub3A_200 : vector<128x4096xi32>
    %reduce_min3A_202 = arith.constant dense<2147483647> : vector<128xi32>
    %reduce_min3A_203 = vector.multi_reduction <minsi>, %sub3A_201, %reduce_min3A_202 [1] : vector<128x4096xi32> to vector<128xi32>
    %broadcast_in_dim3A_204 = vector.shape_cast %reduce_min3A_203 : vector<128xi32> to vector<128x1xi32>
    %add3A_205 = arith.addi %add3A_199, %broadcast_in_dim3A_204 : vector<128x1xi32>
    %add3A_206 = arith.constant -2147483647 : i32
    %add3A_207 = vector.broadcast %add3A_206 : i32 to vector<128x1xi32>
    %add3A_208 = arith.addi %add3A_205, %add3A_207 : vector<128x1xi32>
    %sub3A_209 = vector.broadcast %add3A_208 : vector<128x1xi32> to vector<128x4096xi32>
    %sub3A_210 = arith.subi %or3A, %sub3A_209 : vector<128x4096xi32>
    %reduce_min3A_211 = arith.constant dense<2147483647> : vector<128xi32>
    %reduce_min3A_212 = vector.multi_reduction <minsi>, %sub3A_210, %reduce_min3A_211 [1] : vector<128x4096xi32> to vector<128xi32>
    %broadcast_in_dim3A_213 = vector.shape_cast %reduce_min3A_212 : vector<128xi32> to vector<128x1xi32>
    %add3A_214 = arith.addi %add3A_208, %broadcast_in_dim3A_213 : vector<128x1xi32>
    %add3A_215 = arith.constant -2147483647 : i32
    %add3A_216 = vector.broadcast %add3A_215 : i32 to vector<128x1xi32>
    %add3A_217 = arith.addi %add3A_214, %add3A_216 : vector<128x1xi32>
    %sub3A_218 = vector.broadcast %add3A_217 : vector<128x1xi32> to vector<128x4096xi32>
    %sub3A_219 = arith.subi %or3A, %sub3A_218 : vector<128x4096xi32>
    %reduce_min3A_220 = arith.constant dense<2147483647> : vector<128xi32>
    %reduce_min3A_221 = vector.multi_reduction <minsi>, %sub3A_219, %reduce_min3A_220 [1] : vector<128x4096xi32> to vector<128xi32>
    %broadcast_in_dim3A_222 = vector.shape_cast %reduce_min3A_221 : vector<128xi32> to vector<128x1xi32>
    %add3A_223 = arith.addi %add3A_217, %broadcast_in_dim3A_222 : vector<128x1xi32>
    %add3A_224 = arith.constant -2147483647 : i32
    %add3A_225 = vector.broadcast %add3A_224 : i32 to vector<128x1xi32>
    %add3A_226 = arith.addi %add3A_223, %add3A_225 : vector<128x1xi32>
    %sub3A_227 = vector.broadcast %add3A_226 : vector<128x1xi32> to vector<128x4096xi32>
    %sub3A_228 = arith.subi %or3A, %sub3A_227 : vector<128x4096xi32>
    %reduce_min3A_229 = arith.constant dense<2147483647> : vector<128xi32>
    %reduce_min3A_230 = vector.multi_reduction <minsi>, %sub3A_228, %reduce_min3A_229 [1] : vector<128x4096xi32> to vector<128xi32>
    %broadcast_in_dim3A_231 = vector.shape_cast %reduce_min3A_230 : vector<128xi32> to vector<128x1xi32>
    %add3A_232 = arith.addi %add3A_226, %broadcast_in_dim3A_231 : vector<128x1xi32>
    %add3A_233 = arith.constant -2147483647 : i32
    %add3A_234 = vector.broadcast %add3A_233 : i32 to vector<128x1xi32>
    %add3A_235 = arith.addi %add3A_232, %add3A_234 : vector<128x1xi32>
    %sub3A_236 = vector.broadcast %add3A_235 : vector<128x1xi32> to vector<128x4096xi32>
    %sub3A_237 = arith.subi %or3A, %sub3A_236 : vector<128x4096xi32>
    %reduce_min3A_238 = arith.constant dense<2147483647> : vector<128xi32>
    %reduce_min3A_239 = vector.multi_reduction <minsi>, %sub3A_237, %reduce_min3A_238 [1] : vector<128x4096xi32> to vector<128xi32>
    %broadcast_in_dim3A_240 = vector.shape_cast %reduce_min3A_239 : vector<128xi32> to vector<128x1xi32>
    %add3A_241 = arith.addi %add3A_235, %broadcast_in_dim3A_240 : vector<128x1xi32>
    %add3A_242 = arith.constant -2147483647 : i32
    %add3A_243 = vector.broadcast %add3A_242 : i32 to vector<128x1xi32>
    %add3A_244 = arith.addi %add3A_241, %add3A_243 : vector<128x1xi32>
    %sub3A_245 = vector.broadcast %add3A_244 : vector<128x1xi32> to vector<128x4096xi32>
    %sub3A_246 = arith.subi %or3A, %sub3A_245 : vector<128x4096xi32>
    %reduce_min3A_247 = arith.constant dense<2147483647> : vector<128xi32>
    %reduce_min3A_248 = vector.multi_reduction <minsi>, %sub3A_246, %reduce_min3A_247 [1] : vector<128x4096xi32> to vector<128xi32>
    %broadcast_in_dim3A_249 = vector.shape_cast %reduce_min3A_248 : vector<128xi32> to vector<128x1xi32>
    %add3A_250 = arith.addi %add3A_244, %broadcast_in_dim3A_249 : vector<128x1xi32>
    %add3A_251 = arith.constant -2147483647 : i32
    %add3A_252 = vector.broadcast %add3A_251 : i32 to vector<128x1xi32>
    %add3A_253 = arith.addi %add3A_250, %add3A_252 : vector<128x1xi32>
    %sub3A_254 = vector.broadcast %add3A_253 : vector<128x1xi32> to vector<128x4096xi32>
    %sub3A_255 = arith.subi %or3A, %sub3A_254 : vector<128x4096xi32>
    %reduce_min3A_256 = arith.constant dense<2147483647> : vector<128xi32>
    %reduce_min3A_257 = vector.multi_reduction <minsi>, %sub3A_255, %reduce_min3A_256 [1] : vector<128x4096xi32> to vector<128xi32>
    %broadcast_in_dim3A_258 = vector.shape_cast %reduce_min3A_257 : vector<128xi32> to vector<128x1xi32>
    %add3A_259 = arith.addi %add3A_253, %broadcast_in_dim3A_258 : vector<128x1xi32>
    %add3A_260 = arith.constant -2147483647 : i32
    %add3A_261 = vector.broadcast %add3A_260 : i32 to vector<128x1xi32>
    %add3A_262 = arith.addi %add3A_259, %add3A_261 : vector<128x1xi32>
    %sub3A_263 = vector.broadcast %add3A_262 : vector<128x1xi32> to vector<128x4096xi32>
    %sub3A_264 = arith.subi %or3A, %sub3A_263 : vector<128x4096xi32>
    %reduce_min3A_265 = arith.constant dense<2147483647> : vector<128xi32>
    %reduce_min3A_266 = vector.multi_reduction <minsi>, %sub3A_264, %reduce_min3A_265 [1] : vector<128x4096xi32> to vector<128xi32>
    %broadcast_in_dim3A_267 = vector.shape_cast %reduce_min3A_266 : vector<128xi32> to vector<128x1xi32>
    %add3A_268 = arith.addi %add3A_262, %broadcast_in_dim3A_267 : vector<128x1xi32>
    %add3A_269 = arith.constant -2147483647 : i32
    %add3A_270 = vector.broadcast %add3A_269 : i32 to vector<128x1xi32>
    %add3A_271 = arith.addi %add3A_268, %add3A_270 : vector<128x1xi32>
    %sub3A_272 = vector.broadcast %add3A_271 : vector<128x1xi32> to vector<128x4096xi32>
    %sub3A_273 = arith.subi %or3A, %sub3A_272 : vector<128x4096xi32>
    %reduce_min3A_274 = arith.constant dense<2147483647> : vector<128xi32>
    %reduce_min3A_275 = vector.multi_reduction <minsi>, %sub3A_273, %reduce_min3A_274 [1] : vector<128x4096xi32> to vector<128xi32>
    %broadcast_in_dim3A_276 = vector.shape_cast %reduce_min3A_275 : vector<128xi32> to vector<128x1xi32>
    %add3A_277 = arith.addi %add3A_271, %broadcast_in_dim3A_276 : vector<128x1xi32>
    %add3A_278 = arith.constant -2147483647 : i32
    %add3A_279 = vector.broadcast %add3A_278 : i32 to vector<128x1xi32>
    %add3A_280 = arith.addi %add3A_277, %add3A_279 : vector<128x1xi32>
    %sub3A_281 = vector.broadcast %add3A_280 : vector<128x1xi32> to vector<128x4096xi32>
    %sub3A_282 = arith.subi %or3A, %sub3A_281 : vector<128x4096xi32>
    %reduce_min3A_283 = arith.constant dense<2147483647> : vector<128xi32>
    %reduce_min3A_284 = vector.multi_reduction <minsi>, %sub3A_282, %reduce_min3A_283 [1] : vector<128x4096xi32> to vector<128xi32>
    %broadcast_in_dim3A_285 = vector.shape_cast %reduce_min3A_284 : vector<128xi32> to vector<128x1xi32>
    %add3A_286 = arith.addi %add3A_280, %broadcast_in_dim3A_285 : vector<128x1xi32>
    %add3A_287 = arith.constant -2147483647 : i32
    %add3A_288 = vector.broadcast %add3A_287 : i32 to vector<128x1xi32>
    %add3A_289 = arith.addi %add3A_286, %add3A_288 : vector<128x1xi32>
    %sub3A_290 = vector.broadcast %add3A_289 : vector<128x1xi32> to vector<128x4096xi32>
    %sub3A_291 = arith.subi %or3A, %sub3A_290 : vector<128x4096xi32>
    %reduce_min3A_292 = arith.constant dense<2147483647> : vector<128xi32>
    %reduce_min3A_293 = vector.multi_reduction <minsi>, %sub3A_291, %reduce_min3A_292 [1] : vector<128x4096xi32> to vector<128xi32>
    %broadcast_in_dim3A_294 = vector.shape_cast %reduce_min3A_293 : vector<128xi32> to vector<128x1xi32>
    %add3A_295 = arith.addi %add3A_289, %broadcast_in_dim3A_294 : vector<128x1xi32>
    %add3A_296 = arith.constant -2147483647 : i32
    %add3A_297 = vector.broadcast %add3A_296 : i32 to vector<128x1xi32>
    %add3A_298 = arith.addi %add3A_295, %add3A_297 : vector<128x1xi32>
    %sub3A_299 = vector.broadcast %add3A_298 : vector<128x1xi32> to vector<128x4096xi32>
    %sub3A_300 = arith.subi %or3A, %sub3A_299 : vector<128x4096xi32>
    %reduce_min3A_301 = arith.constant dense<2147483647> : vector<128xi32>
    %reduce_min3A_302 = vector.multi_reduction <minsi>, %sub3A_300, %reduce_min3A_301 [1] : vector<128x4096xi32> to vector<128xi32>
    %broadcast_in_dim3A_303 = vector.shape_cast %reduce_min3A_302 : vector<128xi32> to vector<128x1xi32>
    %add3A_304 = arith.addi %add3A_298, %broadcast_in_dim3A_303 : vector<128x1xi32>
    %concatenate3A = tpu.concatenate %broadcast_in_dim3A_25, %add3A_34, %add3A_43, %add3A_52, %add3A_61, %add3A_70, %add3A_79, %add3A_88, %add3A_97, %add3A_106, %add3A_115, %add3A_124, %add3A_133, %add3A_142, %add3A_151, %add3A_160, %add3A_169, %add3A_178, %add3A_187, %add3A_196, %add3A_205, %add3A_214, %add3A_223, %add3A_232, %add3A_241, %add3A_250, %add3A_259, %add3A_268, %add3A_277, %add3A_286, %add3A_295, %add3A_304 in 1 : vector<128x1xi32>, vector<128x1xi32>, vector<128x1xi32>, vector<128x1xi32>, vector<128x1xi32>, vector<128x1xi32>, vector<128x1xi32>, vector<128x1xi32>, vector<128x1xi32>, vector<128x1xi32>, vector<128x1xi32>, vector<128x1xi32>, vector<128x1xi32>, vector<128x1xi32>, vector<128x1xi32>, vector<128x1xi32>, vector<128x1xi32>, vector<128x1xi32>, vector<128x1xi32>, vector<128x1xi32>, vector<128x1xi32>, vector<128x1xi32>, vector<128x1xi32>, vector<128x1xi32>, vector<128x1xi32>, vector<128x1xi32>, vector<128x1xi32>, vector<128x1xi32>, vector<128x1xi32>, vector<128x1xi32>, vector<128x1xi32>, vector<128x1xi32> -> vector<128x32xi32>
    %and3A_305 = arith.constant 4095 : i32
    %and3A_306 = vector.broadcast %and3A_305 : i32 to vector<128x32xi32>
    %and3A_307 = arith.andi %concatenate3A, %and3A_306 : vector<128x32xi32>
    %swap3A = arith.constant 0 : index
    %swap3A_308 = arith.constant 0 : index
    %swap3A_309 = arith.constant 0 : index
    %swap3A_310 = vector.load %arg4[%swap3A, %swap3A_308, %swap3A_309] : memref<1x128x32xi32, #tpu.memory_space<vmem>>, vector<1x128x32xi32>
    %swap3A_311 = vector.shape_cast %swap3A_310 : vector<1x128x32xi32> to vector<128x32xi32>
    %swap3A_312 = vector.shape_cast %and3A_307 : vector<128x32xi32> to vector<1x128x32xi32>
    tpu.vector_store %arg4[%swap3A, %swap3A_308, %swap3A_309], %swap3A_312 {strides = array<i32>} : memref<1x128x32xi32, #tpu.memory_space<vmem>>, vector<1x128x32xi32>,
    return
  }
  func.func @transform_0(%arg0: i32, %arg1: i32) -> (i32, i32, i32) {
    %c0_i32 = arith.constant 0 : i32
    %c0_i32_0 = arith.constant 0 : i32
    return %arg0, %arg1, %c0_i32 : i32, i32, i32
  }
  func.func @transform_1(%arg0: i32, %arg1: i32) -> (i32, i32, i32) {
    %c0_i32 = arith.constant 0 : i32
    %c0_i32_0 = arith.constant 0 : i32
    %c0_i32_1 = arith.constant 0 : i32
    return %arg0, %c0_i32, %c0_i32_0 : i32, i32, i32
  }
  func.func @transform_2(%arg0: i32, %arg1: i32) -> (i32, i32, i32) {
    %c0_i32 = arith.constant 0 : i32
    %c0_i32_0 = arith.constant 0 : i32
    return %arg0, %arg1, %c0_i32 : i32, i32, i32
  }
}

module attributes {stable_mosaic.version = 14 : i64} {
  func.func @_mlp_body(%arg0: i32, %arg1: i32, %arg2: memref<1x32x128x256xf32, #tpu.memory_space<vmem>>, %arg3: memref<1x128x3xf32, #tpu.memory_space<vmem>>, %arg4: memref<256x3xf32, #tpu.memory_space<vmem>>, %arg5: memref<512x256xf32, #tpu.memory_space<vmem>>, %arg6: memref<512x1xf32, #tpu.memory_space<vmem>>, %arg7: memref<1x512x128xf32, #tpu.memory_space<vmem>>) attributes {dimension_semantics = [#tpu.dimension_semantics<arbitrary>, #tpu.dimension_semantics<arbitrary>], iteration_bounds = array<i64: 1, 8>, scalar_prefetch = 0 : i64, scratch_operands = 0 : i64, tpu.core_type = #tpu.core_type<tc>, window_params = [{transform_indices = @transform_0, window_bounds = array<i64: 1, 32, 128, 256>}, {transform_indices = @transform_1, window_bounds = array<i64: 1, 128, 3>}, {pipeline_mode = #tpu.pipeline_mode<synchronous>, transform_indices = @transform_2, window_bounds = array<i64: 256, 3>}, {pipeline_mode = #tpu.pipeline_mode<synchronous>, transform_indices = @transform_3, window_bounds = array<i64: 512, 256>}, {pipeline_mode = #tpu.pipeline_mode<synchronous>, transform_indices = @transform_4, window_bounds = array<i64: 512, 1>}, {transform_indices = @transform_5, window_bounds = array<i64: 1, 512, 128>}]} {
    %get3A = arith.constant 0 : index
    %get3A_0 = arith.constant 0 : index
    %get3A_1 = arith.constant 0 : index
    %get3A_2 = vector.load %arg3[%get3A, %get3A_0, %get3A_1] : memref<1x128x3xf32, #tpu.memory_space<vmem>>, vector<1x128x3xf32>
    %get3A_3 = vector.shape_cast %get3A_2 : vector<1x128x3xf32> to vector<128x3xf32>
    %get3A_4 = arith.constant 0 : index
    %get3A_5 = arith.constant 0 : index
    %get3A_6 = vector.load %arg4[%get3A_4, %get3A_5] : memref<256x3xf32, #tpu.memory_space<vmem>>, vector<256x3xf32>
    %dot_general3A = arith.constant dense<0.000000e+00> : vector<128x256xf32>
    %dot_general3A_7 = tpu.matmul %get3A_3, %get3A_6, %dot_general3A {dimension_numbers = #tpu.dot_dimension_numbers<[1], [1], [0], [0], [0, 0, 1, 0], [], []>, transpose_lhs_hint = false} : vector<128x3xf32>, vector<256x3xf32>, vector<128x256xf32> -> vector<128x256xf32>
    %get3A_8 = arith.constant 0 : index
    %get3A_9 = arith.constant 0 : index
    %get3A_10 = vector.load %arg5[%get3A_8, %get3A_9] : memref<512x256xf32, #tpu.memory_space<vmem>>, vector<512x256xf32>
    %broadcast_in_dim3A = arith.constant 0xFF800000 : f32
    %broadcast_in_dim3A_11 = vector.broadcast %broadcast_in_dim3A : f32 to vector<512x128xf32>
    %get3A_12 = arith.constant 0 : index
    %get3A_13 = arith.constant 0 : index
    %get3A_14 = arith.constant 0 : index
    %get3A_15 = arith.constant 0 : index
    %get3A_16 = vector.load %arg2[%get3A_12, %get3A_13, %get3A_14, %get3A_15] : memref<1x32x128x256xf32, #tpu.memory_space<vmem>>, vector<1x1x128x256xf32>
    %get3A_17 = vector.shape_cast %get3A_16 : vector<1x1x128x256xf32> to vector<128x256xf32>
    %sub3A = arith.subf %get3A_17, %dot_general3A_7 : vector<128x256xf32>
    %max3A = arith.constant 0.000000e+00 : f32
    %max3A_18 = vector.broadcast %max3A : f32 to vector<128x256xf32>
    %max3A_19 = arith.maximumf %sub3A, %max3A_18 : vector<128x256xf32>
    %dot_general3A_20 = arith.constant dense<0.000000e+00> : vector<512x128xf32>
    %dot_general3A_21 = tpu.matmul %get3A_10, %max3A_19, %dot_general3A_20 {dimension_numbers = #tpu.dot_dimension_numbers<[1], [1], [0], [0], [0, 0, 1, 0], [], []>, transpose_lhs_hint = false} : vector<512x256xf32>, vector<128x256xf32>, vector<512x128xf32> -> vector<512x128xf32>
    %max3A_22 = arith.maximumf %broadcast_in_dim3A_11, %dot_general3A_21 : vector<512x128xf32>
    %get3A_23 = arith.constant 0 : index
    %get3A_24 = arith.constant 1 : index
    %get3A_25 = arith.constant 0 : index
    %get3A_26 = arith.constant 0 : index
    %get3A_27 = vector.load %arg2[%get3A_23, %get3A_24, %get3A_25, %get3A_26] : memref<1x32x128x256xf32, #tpu.memory_space<vmem>>, vector<1x1x128x256xf32>
    %get3A_28 = vector.shape_cast %get3A_27 : vector<1x1x128x256xf32> to vector<128x256xf32>
    %sub3A_29 = arith.subf %get3A_28, %dot_general3A_7 : vector<128x256xf32>
    %max3A_30 = arith.constant 0.000000e+00 : f32
    %max3A_31 = vector.broadcast %max3A_30 : f32 to vector<128x256xf32>
    %max3A_32 = arith.maximumf %sub3A_29, %max3A_31 : vector<128x256xf32>
    %dot_general3A_33 = arith.constant dense<0.000000e+00> : vector<512x128xf32>
    %dot_general3A_34 = tpu.matmul %get3A_10, %max3A_32, %dot_general3A_33 {dimension_numbers = #tpu.dot_dimension_numbers<[1], [1], [0], [0], [0, 0, 1, 0], [], []>, transpose_lhs_hint = false} : vector<512x256xf32>, vector<128x256xf32>, vector<512x128xf32> -> vector<512x128xf32>
    %max3A_35 = arith.maximumf %max3A_22, %dot_general3A_34 : vector<512x128xf32>
    %get3A_36 = arith.constant 0 : index
    %get3A_37 = arith.constant 2 : index
    %get3A_38 = arith.constant 0 : index
    %get3A_39 = arith.constant 0 : index
    %get3A_40 = vector.load %arg2[%get3A_36, %get3A_37, %get3A_38, %get3A_39] : memref<1x32x128x256xf32, #tpu.memory_space<vmem>>, vector<1x1x128x256xf32>
    %get3A_41 = vector.shape_cast %get3A_40 : vector<1x1x128x256xf32> to vector<128x256xf32>
    %sub3A_42 = arith.subf %get3A_41, %dot_general3A_7 : vector<128x256xf32>
    %max3A_43 = arith.constant 0.000000e+00 : f32
    %max3A_44 = vector.broadcast %max3A_43 : f32 to vector<128x256xf32>
    %max3A_45 = arith.maximumf %sub3A_42, %max3A_44 : vector<128x256xf32>
    %dot_general3A_46 = arith.constant dense<0.000000e+00> : vector<512x128xf32>
    %dot_general3A_47 = tpu.matmul %get3A_10, %max3A_45, %dot_general3A_46 {dimension_numbers = #tpu.dot_dimension_numbers<[1], [1], [0], [0], [0, 0, 1, 0], [], []>, transpose_lhs_hint = false} : vector<512x256xf32>, vector<128x256xf32>, vector<512x128xf32> -> vector<512x128xf32>
    %max3A_48 = arith.maximumf %max3A_35, %dot_general3A_47 : vector<512x128xf32>
    %get3A_49 = arith.constant 0 : index
    %get3A_50 = arith.constant 3 : index
    %get3A_51 = arith.constant 0 : index
    %get3A_52 = arith.constant 0 : index
    %get3A_53 = vector.load %arg2[%get3A_49, %get3A_50, %get3A_51, %get3A_52] : memref<1x32x128x256xf32, #tpu.memory_space<vmem>>, vector<1x1x128x256xf32>
    %get3A_54 = vector.shape_cast %get3A_53 : vector<1x1x128x256xf32> to vector<128x256xf32>
    %sub3A_55 = arith.subf %get3A_54, %dot_general3A_7 : vector<128x256xf32>
    %max3A_56 = arith.constant 0.000000e+00 : f32
    %max3A_57 = vector.broadcast %max3A_56 : f32 to vector<128x256xf32>
    %max3A_58 = arith.maximumf %sub3A_55, %max3A_57 : vector<128x256xf32>
    %dot_general3A_59 = arith.constant dense<0.000000e+00> : vector<512x128xf32>
    %dot_general3A_60 = tpu.matmul %get3A_10, %max3A_58, %dot_general3A_59 {dimension_numbers = #tpu.dot_dimension_numbers<[1], [1], [0], [0], [0, 0, 1, 0], [], []>, transpose_lhs_hint = false} : vector<512x256xf32>, vector<128x256xf32>, vector<512x128xf32> -> vector<512x128xf32>
    %max3A_61 = arith.maximumf %max3A_48, %dot_general3A_60 : vector<512x128xf32>
    %get3A_62 = arith.constant 0 : index
    %get3A_63 = arith.constant 4 : index
    %get3A_64 = arith.constant 0 : index
    %get3A_65 = arith.constant 0 : index
    %get3A_66 = vector.load %arg2[%get3A_62, %get3A_63, %get3A_64, %get3A_65] : memref<1x32x128x256xf32, #tpu.memory_space<vmem>>, vector<1x1x128x256xf32>
    %get3A_67 = vector.shape_cast %get3A_66 : vector<1x1x128x256xf32> to vector<128x256xf32>
    %sub3A_68 = arith.subf %get3A_67, %dot_general3A_7 : vector<128x256xf32>
    %max3A_69 = arith.constant 0.000000e+00 : f32
    %max3A_70 = vector.broadcast %max3A_69 : f32 to vector<128x256xf32>
    %max3A_71 = arith.maximumf %sub3A_68, %max3A_70 : vector<128x256xf32>
    %dot_general3A_72 = arith.constant dense<0.000000e+00> : vector<512x128xf32>
    %dot_general3A_73 = tpu.matmul %get3A_10, %max3A_71, %dot_general3A_72 {dimension_numbers = #tpu.dot_dimension_numbers<[1], [1], [0], [0], [0, 0, 1, 0], [], []>, transpose_lhs_hint = false} : vector<512x256xf32>, vector<128x256xf32>, vector<512x128xf32> -> vector<512x128xf32>
    %max3A_74 = arith.maximumf %max3A_61, %dot_general3A_73 : vector<512x128xf32>
    %get3A_75 = arith.constant 0 : index
    %get3A_76 = arith.constant 5 : index
    %get3A_77 = arith.constant 0 : index
    %get3A_78 = arith.constant 0 : index
    %get3A_79 = vector.load %arg2[%get3A_75, %get3A_76, %get3A_77, %get3A_78] : memref<1x32x128x256xf32, #tpu.memory_space<vmem>>, vector<1x1x128x256xf32>
    %get3A_80 = vector.shape_cast %get3A_79 : vector<1x1x128x256xf32> to vector<128x256xf32>
    %sub3A_81 = arith.subf %get3A_80, %dot_general3A_7 : vector<128x256xf32>
    %max3A_82 = arith.constant 0.000000e+00 : f32
    %max3A_83 = vector.broadcast %max3A_82 : f32 to vector<128x256xf32>
    %max3A_84 = arith.maximumf %sub3A_81, %max3A_83 : vector<128x256xf32>
    %dot_general3A_85 = arith.constant dense<0.000000e+00> : vector<512x128xf32>
    %dot_general3A_86 = tpu.matmul %get3A_10, %max3A_84, %dot_general3A_85 {dimension_numbers = #tpu.dot_dimension_numbers<[1], [1], [0], [0], [0, 0, 1, 0], [], []>, transpose_lhs_hint = false} : vector<512x256xf32>, vector<128x256xf32>, vector<512x128xf32> -> vector<512x128xf32>
    %max3A_87 = arith.maximumf %max3A_74, %dot_general3A_86 : vector<512x128xf32>
    %get3A_88 = arith.constant 0 : index
    %get3A_89 = arith.constant 6 : index
    %get3A_90 = arith.constant 0 : index
    %get3A_91 = arith.constant 0 : index
    %get3A_92 = vector.load %arg2[%get3A_88, %get3A_89, %get3A_90, %get3A_91] : memref<1x32x128x256xf32, #tpu.memory_space<vmem>>, vector<1x1x128x256xf32>
    %get3A_93 = vector.shape_cast %get3A_92 : vector<1x1x128x256xf32> to vector<128x256xf32>
    %sub3A_94 = arith.subf %get3A_93, %dot_general3A_7 : vector<128x256xf32>
    %max3A_95 = arith.constant 0.000000e+00 : f32
    %max3A_96 = vector.broadcast %max3A_95 : f32 to vector<128x256xf32>
    %max3A_97 = arith.maximumf %sub3A_94, %max3A_96 : vector<128x256xf32>
    %dot_general3A_98 = arith.constant dense<0.000000e+00> : vector<512x128xf32>
    %dot_general3A_99 = tpu.matmul %get3A_10, %max3A_97, %dot_general3A_98 {dimension_numbers = #tpu.dot_dimension_numbers<[1], [1], [0], [0], [0, 0, 1, 0], [], []>, transpose_lhs_hint = false} : vector<512x256xf32>, vector<128x256xf32>, vector<512x128xf32> -> vector<512x128xf32>
    %max3A_100 = arith.maximumf %max3A_87, %dot_general3A_99 : vector<512x128xf32>
    %get3A_101 = arith.constant 0 : index
    %get3A_102 = arith.constant 7 : index
    %get3A_103 = arith.constant 0 : index
    %get3A_104 = arith.constant 0 : index
    %get3A_105 = vector.load %arg2[%get3A_101, %get3A_102, %get3A_103, %get3A_104] : memref<1x32x128x256xf32, #tpu.memory_space<vmem>>, vector<1x1x128x256xf32>
    %get3A_106 = vector.shape_cast %get3A_105 : vector<1x1x128x256xf32> to vector<128x256xf32>
    %sub3A_107 = arith.subf %get3A_106, %dot_general3A_7 : vector<128x256xf32>
    %max3A_108 = arith.constant 0.000000e+00 : f32
    %max3A_109 = vector.broadcast %max3A_108 : f32 to vector<128x256xf32>
    %max3A_110 = arith.maximumf %sub3A_107, %max3A_109 : vector<128x256xf32>
    %dot_general3A_111 = arith.constant dense<0.000000e+00> : vector<512x128xf32>
    %dot_general3A_112 = tpu.matmul %get3A_10, %max3A_110, %dot_general3A_111 {dimension_numbers = #tpu.dot_dimension_numbers<[1], [1], [0], [0], [0, 0, 1, 0], [], []>, transpose_lhs_hint = false} : vector<512x256xf32>, vector<128x256xf32>, vector<512x128xf32> -> vector<512x128xf32>
    %max3A_113 = arith.maximumf %max3A_100, %dot_general3A_112 : vector<512x128xf32>
    %get3A_114 = arith.constant 0 : index
    %get3A_115 = arith.constant 8 : index
    %get3A_116 = arith.constant 0 : index
    %get3A_117 = arith.constant 0 : index
    %get3A_118 = vector.load %arg2[%get3A_114, %get3A_115, %get3A_116, %get3A_117] : memref<1x32x128x256xf32, #tpu.memory_space<vmem>>, vector<1x1x128x256xf32>
    %get3A_119 = vector.shape_cast %get3A_118 : vector<1x1x128x256xf32> to vector<128x256xf32>
    %sub3A_120 = arith.subf %get3A_119, %dot_general3A_7 : vector<128x256xf32>
    %max3A_121 = arith.constant 0.000000e+00 : f32
    %max3A_122 = vector.broadcast %max3A_121 : f32 to vector<128x256xf32>
    %max3A_123 = arith.maximumf %sub3A_120, %max3A_122 : vector<128x256xf32>
    %dot_general3A_124 = arith.constant dense<0.000000e+00> : vector<512x128xf32>
    %dot_general3A_125 = tpu.matmul %get3A_10, %max3A_123, %dot_general3A_124 {dimension_numbers = #tpu.dot_dimension_numbers<[1], [1], [0], [0], [0, 0, 1, 0], [], []>, transpose_lhs_hint = false} : vector<512x256xf32>, vector<128x256xf32>, vector<512x128xf32> -> vector<512x128xf32>
    %max3A_126 = arith.maximumf %max3A_113, %dot_general3A_125 : vector<512x128xf32>
    %get3A_127 = arith.constant 0 : index
    %get3A_128 = arith.constant 9 : index
    %get3A_129 = arith.constant 0 : index
    %get3A_130 = arith.constant 0 : index
    %get3A_131 = vector.load %arg2[%get3A_127, %get3A_128, %get3A_129, %get3A_130] : memref<1x32x128x256xf32, #tpu.memory_space<vmem>>, vector<1x1x128x256xf32>
    %get3A_132 = vector.shape_cast %get3A_131 : vector<1x1x128x256xf32> to vector<128x256xf32>
    %sub3A_133 = arith.subf %get3A_132, %dot_general3A_7 : vector<128x256xf32>
    %max3A_134 = arith.constant 0.000000e+00 : f32
    %max3A_135 = vector.broadcast %max3A_134 : f32 to vector<128x256xf32>
    %max3A_136 = arith.maximumf %sub3A_133, %max3A_135 : vector<128x256xf32>
    %dot_general3A_137 = arith.constant dense<0.000000e+00> : vector<512x128xf32>
    %dot_general3A_138 = tpu.matmul %get3A_10, %max3A_136, %dot_general3A_137 {dimension_numbers = #tpu.dot_dimension_numbers<[1], [1], [0], [0], [0, 0, 1, 0], [], []>, transpose_lhs_hint = false} : vector<512x256xf32>, vector<128x256xf32>, vector<512x128xf32> -> vector<512x128xf32>
    %max3A_139 = arith.maximumf %max3A_126, %dot_general3A_138 : vector<512x128xf32>
    %get3A_140 = arith.constant 0 : index
    %get3A_141 = arith.constant 10 : index
    %get3A_142 = arith.constant 0 : index
    %get3A_143 = arith.constant 0 : index
    %get3A_144 = vector.load %arg2[%get3A_140, %get3A_141, %get3A_142, %get3A_143] : memref<1x32x128x256xf32, #tpu.memory_space<vmem>>, vector<1x1x128x256xf32>
    %get3A_145 = vector.shape_cast %get3A_144 : vector<1x1x128x256xf32> to vector<128x256xf32>
    %sub3A_146 = arith.subf %get3A_145, %dot_general3A_7 : vector<128x256xf32>
    %max3A_147 = arith.constant 0.000000e+00 : f32
    %max3A_148 = vector.broadcast %max3A_147 : f32 to vector<128x256xf32>
    %max3A_149 = arith.maximumf %sub3A_146, %max3A_148 : vector<128x256xf32>
    %dot_general3A_150 = arith.constant dense<0.000000e+00> : vector<512x128xf32>
    %dot_general3A_151 = tpu.matmul %get3A_10, %max3A_149, %dot_general3A_150 {dimension_numbers = #tpu.dot_dimension_numbers<[1], [1], [0], [0], [0, 0, 1, 0], [], []>, transpose_lhs_hint = false} : vector<512x256xf32>, vector<128x256xf32>, vector<512x128xf32> -> vector<512x128xf32>
    %max3A_152 = arith.maximumf %max3A_139, %dot_general3A_151 : vector<512x128xf32>
    %get3A_153 = arith.constant 0 : index
    %get3A_154 = arith.constant 11 : index
    %get3A_155 = arith.constant 0 : index
    %get3A_156 = arith.constant 0 : index
    %get3A_157 = vector.load %arg2[%get3A_153, %get3A_154, %get3A_155, %get3A_156] : memref<1x32x128x256xf32, #tpu.memory_space<vmem>>, vector<1x1x128x256xf32>
    %get3A_158 = vector.shape_cast %get3A_157 : vector<1x1x128x256xf32> to vector<128x256xf32>
    %sub3A_159 = arith.subf %get3A_158, %dot_general3A_7 : vector<128x256xf32>
    %max3A_160 = arith.constant 0.000000e+00 : f32
    %max3A_161 = vector.broadcast %max3A_160 : f32 to vector<128x256xf32>
    %max3A_162 = arith.maximumf %sub3A_159, %max3A_161 : vector<128x256xf32>
    %dot_general3A_163 = arith.constant dense<0.000000e+00> : vector<512x128xf32>
    %dot_general3A_164 = tpu.matmul %get3A_10, %max3A_162, %dot_general3A_163 {dimension_numbers = #tpu.dot_dimension_numbers<[1], [1], [0], [0], [0, 0, 1, 0], [], []>, transpose_lhs_hint = false} : vector<512x256xf32>, vector<128x256xf32>, vector<512x128xf32> -> vector<512x128xf32>
    %max3A_165 = arith.maximumf %max3A_152, %dot_general3A_164 : vector<512x128xf32>
    %get3A_166 = arith.constant 0 : index
    %get3A_167 = arith.constant 12 : index
    %get3A_168 = arith.constant 0 : index
    %get3A_169 = arith.constant 0 : index
    %get3A_170 = vector.load %arg2[%get3A_166, %get3A_167, %get3A_168, %get3A_169] : memref<1x32x128x256xf32, #tpu.memory_space<vmem>>, vector<1x1x128x256xf32>
    %get3A_171 = vector.shape_cast %get3A_170 : vector<1x1x128x256xf32> to vector<128x256xf32>
    %sub3A_172 = arith.subf %get3A_171, %dot_general3A_7 : vector<128x256xf32>
    %max3A_173 = arith.constant 0.000000e+00 : f32
    %max3A_174 = vector.broadcast %max3A_173 : f32 to vector<128x256xf32>
    %max3A_175 = arith.maximumf %sub3A_172, %max3A_174 : vector<128x256xf32>
    %dot_general3A_176 = arith.constant dense<0.000000e+00> : vector<512x128xf32>
    %dot_general3A_177 = tpu.matmul %get3A_10, %max3A_175, %dot_general3A_176 {dimension_numbers = #tpu.dot_dimension_numbers<[1], [1], [0], [0], [0, 0, 1, 0], [], []>, transpose_lhs_hint = false} : vector<512x256xf32>, vector<128x256xf32>, vector<512x128xf32> -> vector<512x128xf32>
    %max3A_178 = arith.maximumf %max3A_165, %dot_general3A_177 : vector<512x128xf32>
    %get3A_179 = arith.constant 0 : index
    %get3A_180 = arith.constant 13 : index
    %get3A_181 = arith.constant 0 : index
    %get3A_182 = arith.constant 0 : index
    %get3A_183 = vector.load %arg2[%get3A_179, %get3A_180, %get3A_181, %get3A_182] : memref<1x32x128x256xf32, #tpu.memory_space<vmem>>, vector<1x1x128x256xf32>
    %get3A_184 = vector.shape_cast %get3A_183 : vector<1x1x128x256xf32> to vector<128x256xf32>
    %sub3A_185 = arith.subf %get3A_184, %dot_general3A_7 : vector<128x256xf32>
    %max3A_186 = arith.constant 0.000000e+00 : f32
    %max3A_187 = vector.broadcast %max3A_186 : f32 to vector<128x256xf32>
    %max3A_188 = arith.maximumf %sub3A_185, %max3A_187 : vector<128x256xf32>
    %dot_general3A_189 = arith.constant dense<0.000000e+00> : vector<512x128xf32>
    %dot_general3A_190 = tpu.matmul %get3A_10, %max3A_188, %dot_general3A_189 {dimension_numbers = #tpu.dot_dimension_numbers<[1], [1], [0], [0], [0, 0, 1, 0], [], []>, transpose_lhs_hint = false} : vector<512x256xf32>, vector<128x256xf32>, vector<512x128xf32> -> vector<512x128xf32>
    %max3A_191 = arith.maximumf %max3A_178, %dot_general3A_190 : vector<512x128xf32>
    %get3A_192 = arith.constant 0 : index
    %get3A_193 = arith.constant 14 : index
    %get3A_194 = arith.constant 0 : index
    %get3A_195 = arith.constant 0 : index
    %get3A_196 = vector.load %arg2[%get3A_192, %get3A_193, %get3A_194, %get3A_195] : memref<1x32x128x256xf32, #tpu.memory_space<vmem>>, vector<1x1x128x256xf32>
    %get3A_197 = vector.shape_cast %get3A_196 : vector<1x1x128x256xf32> to vector<128x256xf32>
    %sub3A_198 = arith.subf %get3A_197, %dot_general3A_7 : vector<128x256xf32>
    %max3A_199 = arith.constant 0.000000e+00 : f32
    %max3A_200 = vector.broadcast %max3A_199 : f32 to vector<128x256xf32>
    %max3A_201 = arith.maximumf %sub3A_198, %max3A_200 : vector<128x256xf32>
    %dot_general3A_202 = arith.constant dense<0.000000e+00> : vector<512x128xf32>
    %dot_general3A_203 = tpu.matmul %get3A_10, %max3A_201, %dot_general3A_202 {dimension_numbers = #tpu.dot_dimension_numbers<[1], [1], [0], [0], [0, 0, 1, 0], [], []>, transpose_lhs_hint = false} : vector<512x256xf32>, vector<128x256xf32>, vector<512x128xf32> -> vector<512x128xf32>
    %max3A_204 = arith.maximumf %max3A_191, %dot_general3A_203 : vector<512x128xf32>
    %get3A_205 = arith.constant 0 : index
    %get3A_206 = arith.constant 15 : index
    %get3A_207 = arith.constant 0 : index
    %get3A_208 = arith.constant 0 : index
    %get3A_209 = vector.load %arg2[%get3A_205, %get3A_206, %get3A_207, %get3A_208] : memref<1x32x128x256xf32, #tpu.memory_space<vmem>>, vector<1x1x128x256xf32>
    %get3A_210 = vector.shape_cast %get3A_209 : vector<1x1x128x256xf32> to vector<128x256xf32>
    %sub3A_211 = arith.subf %get3A_210, %dot_general3A_7 : vector<128x256xf32>
    %max3A_212 = arith.constant 0.000000e+00 : f32
    %max3A_213 = vector.broadcast %max3A_212 : f32 to vector<128x256xf32>
    %max3A_214 = arith.maximumf %sub3A_211, %max3A_213 : vector<128x256xf32>
    %dot_general3A_215 = arith.constant dense<0.000000e+00> : vector<512x128xf32>
    %dot_general3A_216 = tpu.matmul %get3A_10, %max3A_214, %dot_general3A_215 {dimension_numbers = #tpu.dot_dimension_numbers<[1], [1], [0], [0], [0, 0, 1, 0], [], []>, transpose_lhs_hint = false} : vector<512x256xf32>, vector<128x256xf32>, vector<512x128xf32> -> vector<512x128xf32>
    %max3A_217 = arith.maximumf %max3A_204, %dot_general3A_216 : vector<512x128xf32>
    %get3A_218 = arith.constant 0 : index
    %get3A_219 = arith.constant 16 : index
    %get3A_220 = arith.constant 0 : index
    %get3A_221 = arith.constant 0 : index
    %get3A_222 = vector.load %arg2[%get3A_218, %get3A_219, %get3A_220, %get3A_221] : memref<1x32x128x256xf32, #tpu.memory_space<vmem>>, vector<1x1x128x256xf32>
    %get3A_223 = vector.shape_cast %get3A_222 : vector<1x1x128x256xf32> to vector<128x256xf32>
    %sub3A_224 = arith.subf %get3A_223, %dot_general3A_7 : vector<128x256xf32>
    %max3A_225 = arith.constant 0.000000e+00 : f32
    %max3A_226 = vector.broadcast %max3A_225 : f32 to vector<128x256xf32>
    %max3A_227 = arith.maximumf %sub3A_224, %max3A_226 : vector<128x256xf32>
    %dot_general3A_228 = arith.constant dense<0.000000e+00> : vector<512x128xf32>
    %dot_general3A_229 = tpu.matmul %get3A_10, %max3A_227, %dot_general3A_228 {dimension_numbers = #tpu.dot_dimension_numbers<[1], [1], [0], [0], [0, 0, 1, 0], [], []>, transpose_lhs_hint = false} : vector<512x256xf32>, vector<128x256xf32>, vector<512x128xf32> -> vector<512x128xf32>
    %max3A_230 = arith.maximumf %max3A_217, %dot_general3A_229 : vector<512x128xf32>
    %get3A_231 = arith.constant 0 : index
    %get3A_232 = arith.constant 17 : index
    %get3A_233 = arith.constant 0 : index
    %get3A_234 = arith.constant 0 : index
    %get3A_235 = vector.load %arg2[%get3A_231, %get3A_232, %get3A_233, %get3A_234] : memref<1x32x128x256xf32, #tpu.memory_space<vmem>>, vector<1x1x128x256xf32>
    %get3A_236 = vector.shape_cast %get3A_235 : vector<1x1x128x256xf32> to vector<128x256xf32>
    %sub3A_237 = arith.subf %get3A_236, %dot_general3A_7 : vector<128x256xf32>
    %max3A_238 = arith.constant 0.000000e+00 : f32
    %max3A_239 = vector.broadcast %max3A_238 : f32 to vector<128x256xf32>
    %max3A_240 = arith.maximumf %sub3A_237, %max3A_239 : vector<128x256xf32>
    %dot_general3A_241 = arith.constant dense<0.000000e+00> : vector<512x128xf32>
    %dot_general3A_242 = tpu.matmul %get3A_10, %max3A_240, %dot_general3A_241 {dimension_numbers = #tpu.dot_dimension_numbers<[1], [1], [0], [0], [0, 0, 1, 0], [], []>, transpose_lhs_hint = false} : vector<512x256xf32>, vector<128x256xf32>, vector<512x128xf32> -> vector<512x128xf32>
    %max3A_243 = arith.maximumf %max3A_230, %dot_general3A_242 : vector<512x128xf32>
    %get3A_244 = arith.constant 0 : index
    %get3A_245 = arith.constant 18 : index
    %get3A_246 = arith.constant 0 : index
    %get3A_247 = arith.constant 0 : index
    %get3A_248 = vector.load %arg2[%get3A_244, %get3A_245, %get3A_246, %get3A_247] : memref<1x32x128x256xf32, #tpu.memory_space<vmem>>, vector<1x1x128x256xf32>
    %get3A_249 = vector.shape_cast %get3A_248 : vector<1x1x128x256xf32> to vector<128x256xf32>
    %sub3A_250 = arith.subf %get3A_249, %dot_general3A_7 : vector<128x256xf32>
    %max3A_251 = arith.constant 0.000000e+00 : f32
    %max3A_252 = vector.broadcast %max3A_251 : f32 to vector<128x256xf32>
    %max3A_253 = arith.maximumf %sub3A_250, %max3A_252 : vector<128x256xf32>
    %dot_general3A_254 = arith.constant dense<0.000000e+00> : vector<512x128xf32>
    %dot_general3A_255 = tpu.matmul %get3A_10, %max3A_253, %dot_general3A_254 {dimension_numbers = #tpu.dot_dimension_numbers<[1], [1], [0], [0], [0, 0, 1, 0], [], []>, transpose_lhs_hint = false} : vector<512x256xf32>, vector<128x256xf32>, vector<512x128xf32> -> vector<512x128xf32>
    %max3A_256 = arith.maximumf %max3A_243, %dot_general3A_255 : vector<512x128xf32>
    %get3A_257 = arith.constant 0 : index
    %get3A_258 = arith.constant 19 : index
    %get3A_259 = arith.constant 0 : index
    %get3A_260 = arith.constant 0 : index
    %get3A_261 = vector.load %arg2[%get3A_257, %get3A_258, %get3A_259, %get3A_260] : memref<1x32x128x256xf32, #tpu.memory_space<vmem>>, vector<1x1x128x256xf32>
    %get3A_262 = vector.shape_cast %get3A_261 : vector<1x1x128x256xf32> to vector<128x256xf32>
    %sub3A_263 = arith.subf %get3A_262, %dot_general3A_7 : vector<128x256xf32>
    %max3A_264 = arith.constant 0.000000e+00 : f32
    %max3A_265 = vector.broadcast %max3A_264 : f32 to vector<128x256xf32>
    %max3A_266 = arith.maximumf %sub3A_263, %max3A_265 : vector<128x256xf32>
    %dot_general3A_267 = arith.constant dense<0.000000e+00> : vector<512x128xf32>
    %dot_general3A_268 = tpu.matmul %get3A_10, %max3A_266, %dot_general3A_267 {dimension_numbers = #tpu.dot_dimension_numbers<[1], [1], [0], [0], [0, 0, 1, 0], [], []>, transpose_lhs_hint = false} : vector<512x256xf32>, vector<128x256xf32>, vector<512x128xf32> -> vector<512x128xf32>
    %max3A_269 = arith.maximumf %max3A_256, %dot_general3A_268 : vector<512x128xf32>
    %get3A_270 = arith.constant 0 : index
    %get3A_271 = arith.constant 20 : index
    %get3A_272 = arith.constant 0 : index
    %get3A_273 = arith.constant 0 : index
    %get3A_274 = vector.load %arg2[%get3A_270, %get3A_271, %get3A_272, %get3A_273] : memref<1x32x128x256xf32, #tpu.memory_space<vmem>>, vector<1x1x128x256xf32>
    %get3A_275 = vector.shape_cast %get3A_274 : vector<1x1x128x256xf32> to vector<128x256xf32>
    %sub3A_276 = arith.subf %get3A_275, %dot_general3A_7 : vector<128x256xf32>
    %max3A_277 = arith.constant 0.000000e+00 : f32
    %max3A_278 = vector.broadcast %max3A_277 : f32 to vector<128x256xf32>
    %max3A_279 = arith.maximumf %sub3A_276, %max3A_278 : vector<128x256xf32>
    %dot_general3A_280 = arith.constant dense<0.000000e+00> : vector<512x128xf32>
    %dot_general3A_281 = tpu.matmul %get3A_10, %max3A_279, %dot_general3A_280 {dimension_numbers = #tpu.dot_dimension_numbers<[1], [1], [0], [0], [0, 0, 1, 0], [], []>, transpose_lhs_hint = false} : vector<512x256xf32>, vector<128x256xf32>, vector<512x128xf32> -> vector<512x128xf32>
    %max3A_282 = arith.maximumf %max3A_269, %dot_general3A_281 : vector<512x128xf32>
    %get3A_283 = arith.constant 0 : index
    %get3A_284 = arith.constant 21 : index
    %get3A_285 = arith.constant 0 : index
    %get3A_286 = arith.constant 0 : index
    %get3A_287 = vector.load %arg2[%get3A_283, %get3A_284, %get3A_285, %get3A_286] : memref<1x32x128x256xf32, #tpu.memory_space<vmem>>, vector<1x1x128x256xf32>
    %get3A_288 = vector.shape_cast %get3A_287 : vector<1x1x128x256xf32> to vector<128x256xf32>
    %sub3A_289 = arith.subf %get3A_288, %dot_general3A_7 : vector<128x256xf32>
    %max3A_290 = arith.constant 0.000000e+00 : f32
    %max3A_291 = vector.broadcast %max3A_290 : f32 to vector<128x256xf32>
    %max3A_292 = arith.maximumf %sub3A_289, %max3A_291 : vector<128x256xf32>
    %dot_general3A_293 = arith.constant dense<0.000000e+00> : vector<512x128xf32>
    %dot_general3A_294 = tpu.matmul %get3A_10, %max3A_292, %dot_general3A_293 {dimension_numbers = #tpu.dot_dimension_numbers<[1], [1], [0], [0], [0, 0, 1, 0], [], []>, transpose_lhs_hint = false} : vector<512x256xf32>, vector<128x256xf32>, vector<512x128xf32> -> vector<512x128xf32>
    %max3A_295 = arith.maximumf %max3A_282, %dot_general3A_294 : vector<512x128xf32>
    %get3A_296 = arith.constant 0 : index
    %get3A_297 = arith.constant 22 : index
    %get3A_298 = arith.constant 0 : index
    %get3A_299 = arith.constant 0 : index
    %get3A_300 = vector.load %arg2[%get3A_296, %get3A_297, %get3A_298, %get3A_299] : memref<1x32x128x256xf32, #tpu.memory_space<vmem>>, vector<1x1x128x256xf32>
    %get3A_301 = vector.shape_cast %get3A_300 : vector<1x1x128x256xf32> to vector<128x256xf32>
    %sub3A_302 = arith.subf %get3A_301, %dot_general3A_7 : vector<128x256xf32>
    %max3A_303 = arith.constant 0.000000e+00 : f32
    %max3A_304 = vector.broadcast %max3A_303 : f32 to vector<128x256xf32>
    %max3A_305 = arith.maximumf %sub3A_302, %max3A_304 : vector<128x256xf32>
    %dot_general3A_306 = arith.constant dense<0.000000e+00> : vector<512x128xf32>
    %dot_general3A_307 = tpu.matmul %get3A_10, %max3A_305, %dot_general3A_306 {dimension_numbers = #tpu.dot_dimension_numbers<[1], [1], [0], [0], [0, 0, 1, 0], [], []>, transpose_lhs_hint = false} : vector<512x256xf32>, vector<128x256xf32>, vector<512x128xf32> -> vector<512x128xf32>
    %max3A_308 = arith.maximumf %max3A_295, %dot_general3A_307 : vector<512x128xf32>
    %get3A_309 = arith.constant 0 : index
    %get3A_310 = arith.constant 23 : index
    %get3A_311 = arith.constant 0 : index
    %get3A_312 = arith.constant 0 : index
    %get3A_313 = vector.load %arg2[%get3A_309, %get3A_310, %get3A_311, %get3A_312] : memref<1x32x128x256xf32, #tpu.memory_space<vmem>>, vector<1x1x128x256xf32>
    %get3A_314 = vector.shape_cast %get3A_313 : vector<1x1x128x256xf32> to vector<128x256xf32>
    %sub3A_315 = arith.subf %get3A_314, %dot_general3A_7 : vector<128x256xf32>
    %max3A_316 = arith.constant 0.000000e+00 : f32
    %max3A_317 = vector.broadcast %max3A_316 : f32 to vector<128x256xf32>
    %max3A_318 = arith.maximumf %sub3A_315, %max3A_317 : vector<128x256xf32>
    %dot_general3A_319 = arith.constant dense<0.000000e+00> : vector<512x128xf32>
    %dot_general3A_320 = tpu.matmul %get3A_10, %max3A_318, %dot_general3A_319 {dimension_numbers = #tpu.dot_dimension_numbers<[1], [1], [0], [0], [0, 0, 1, 0], [], []>, transpose_lhs_hint = false} : vector<512x256xf32>, vector<128x256xf32>, vector<512x128xf32> -> vector<512x128xf32>
    %max3A_321 = arith.maximumf %max3A_308, %dot_general3A_320 : vector<512x128xf32>
    %get3A_322 = arith.constant 0 : index
    %get3A_323 = arith.constant 24 : index
    %get3A_324 = arith.constant 0 : index
    %get3A_325 = arith.constant 0 : index
    %get3A_326 = vector.load %arg2[%get3A_322, %get3A_323, %get3A_324, %get3A_325] : memref<1x32x128x256xf32, #tpu.memory_space<vmem>>, vector<1x1x128x256xf32>
    %get3A_327 = vector.shape_cast %get3A_326 : vector<1x1x128x256xf32> to vector<128x256xf32>
    %sub3A_328 = arith.subf %get3A_327, %dot_general3A_7 : vector<128x256xf32>
    %max3A_329 = arith.constant 0.000000e+00 : f32
    %max3A_330 = vector.broadcast %max3A_329 : f32 to vector<128x256xf32>
    %max3A_331 = arith.maximumf %sub3A_328, %max3A_330 : vector<128x256xf32>
    %dot_general3A_332 = arith.constant dense<0.000000e+00> : vector<512x128xf32>
    %dot_general3A_333 = tpu.matmul %get3A_10, %max3A_331, %dot_general3A_332 {dimension_numbers = #tpu.dot_dimension_numbers<[1], [1], [0], [0], [0, 0, 1, 0], [], []>, transpose_lhs_hint = false} : vector<512x256xf32>, vector<128x256xf32>, vector<512x128xf32> -> vector<512x128xf32>
    %max3A_334 = arith.maximumf %max3A_321, %dot_general3A_333 : vector<512x128xf32>
    %get3A_335 = arith.constant 0 : index
    %get3A_336 = arith.constant 25 : index
    %get3A_337 = arith.constant 0 : index
    %get3A_338 = arith.constant 0 : index
    %get3A_339 = vector.load %arg2[%get3A_335, %get3A_336, %get3A_337, %get3A_338] : memref<1x32x128x256xf32, #tpu.memory_space<vmem>>, vector<1x1x128x256xf32>
    %get3A_340 = vector.shape_cast %get3A_339 : vector<1x1x128x256xf32> to vector<128x256xf32>
    %sub3A_341 = arith.subf %get3A_340, %dot_general3A_7 : vector<128x256xf32>
    %max3A_342 = arith.constant 0.000000e+00 : f32
    %max3A_343 = vector.broadcast %max3A_342 : f32 to vector<128x256xf32>
    %max3A_344 = arith.maximumf %sub3A_341, %max3A_343 : vector<128x256xf32>
    %dot_general3A_345 = arith.constant dense<0.000000e+00> : vector<512x128xf32>
    %dot_general3A_346 = tpu.matmul %get3A_10, %max3A_344, %dot_general3A_345 {dimension_numbers = #tpu.dot_dimension_numbers<[1], [1], [0], [0], [0, 0, 1, 0], [], []>, transpose_lhs_hint = false} : vector<512x256xf32>, vector<128x256xf32>, vector<512x128xf32> -> vector<512x128xf32>
    %max3A_347 = arith.maximumf %max3A_334, %dot_general3A_346 : vector<512x128xf32>
    %get3A_348 = arith.constant 0 : index
    %get3A_349 = arith.constant 26 : index
    %get3A_350 = arith.constant 0 : index
    %get3A_351 = arith.constant 0 : index
    %get3A_352 = vector.load %arg2[%get3A_348, %get3A_349, %get3A_350, %get3A_351] : memref<1x32x128x256xf32, #tpu.memory_space<vmem>>, vector<1x1x128x256xf32>
    %get3A_353 = vector.shape_cast %get3A_352 : vector<1x1x128x256xf32> to vector<128x256xf32>
    %sub3A_354 = arith.subf %get3A_353, %dot_general3A_7 : vector<128x256xf32>
    %max3A_355 = arith.constant 0.000000e+00 : f32
    %max3A_356 = vector.broadcast %max3A_355 : f32 to vector<128x256xf32>
    %max3A_357 = arith.maximumf %sub3A_354, %max3A_356 : vector<128x256xf32>
    %dot_general3A_358 = arith.constant dense<0.000000e+00> : vector<512x128xf32>
    %dot_general3A_359 = tpu.matmul %get3A_10, %max3A_357, %dot_general3A_358 {dimension_numbers = #tpu.dot_dimension_numbers<[1], [1], [0], [0], [0, 0, 1, 0], [], []>, transpose_lhs_hint = false} : vector<512x256xf32>, vector<128x256xf32>, vector<512x128xf32> -> vector<512x128xf32>
    %max3A_360 = arith.maximumf %max3A_347, %dot_general3A_359 : vector<512x128xf32>
    %get3A_361 = arith.constant 0 : index
    %get3A_362 = arith.constant 27 : index
    %get3A_363 = arith.constant 0 : index
    %get3A_364 = arith.constant 0 : index
    %get3A_365 = vector.load %arg2[%get3A_361, %get3A_362, %get3A_363, %get3A_364] : memref<1x32x128x256xf32, #tpu.memory_space<vmem>>, vector<1x1x128x256xf32>
    %get3A_366 = vector.shape_cast %get3A_365 : vector<1x1x128x256xf32> to vector<128x256xf32>
    %sub3A_367 = arith.subf %get3A_366, %dot_general3A_7 : vector<128x256xf32>
    %max3A_368 = arith.constant 0.000000e+00 : f32
    %max3A_369 = vector.broadcast %max3A_368 : f32 to vector<128x256xf32>
    %max3A_370 = arith.maximumf %sub3A_367, %max3A_369 : vector<128x256xf32>
    %dot_general3A_371 = arith.constant dense<0.000000e+00> : vector<512x128xf32>
    %dot_general3A_372 = tpu.matmul %get3A_10, %max3A_370, %dot_general3A_371 {dimension_numbers = #tpu.dot_dimension_numbers<[1], [1], [0], [0], [0, 0, 1, 0], [], []>, transpose_lhs_hint = false} : vector<512x256xf32>, vector<128x256xf32>, vector<512x128xf32> -> vector<512x128xf32>
    %max3A_373 = arith.maximumf %max3A_360, %dot_general3A_372 : vector<512x128xf32>
    %get3A_374 = arith.constant 0 : index
    %get3A_375 = arith.constant 28 : index
    %get3A_376 = arith.constant 0 : index
    %get3A_377 = arith.constant 0 : index
    %get3A_378 = vector.load %arg2[%get3A_374, %get3A_375, %get3A_376, %get3A_377] : memref<1x32x128x256xf32, #tpu.memory_space<vmem>>, vector<1x1x128x256xf32>
    %get3A_379 = vector.shape_cast %get3A_378 : vector<1x1x128x256xf32> to vector<128x256xf32>
    %sub3A_380 = arith.subf %get3A_379, %dot_general3A_7 : vector<128x256xf32>
    %max3A_381 = arith.constant 0.000000e+00 : f32
    %max3A_382 = vector.broadcast %max3A_381 : f32 to vector<128x256xf32>
    %max3A_383 = arith.maximumf %sub3A_380, %max3A_382 : vector<128x256xf32>
    %dot_general3A_384 = arith.constant dense<0.000000e+00> : vector<512x128xf32>
    %dot_general3A_385 = tpu.matmul %get3A_10, %max3A_383, %dot_general3A_384 {dimension_numbers = #tpu.dot_dimension_numbers<[1], [1], [0], [0], [0, 0, 1, 0], [], []>, transpose_lhs_hint = false} : vector<512x256xf32>, vector<128x256xf32>, vector<512x128xf32> -> vector<512x128xf32>
    %max3A_386 = arith.maximumf %max3A_373, %dot_general3A_385 : vector<512x128xf32>
    %get3A_387 = arith.constant 0 : index
    %get3A_388 = arith.constant 29 : index
    %get3A_389 = arith.constant 0 : index
    %get3A_390 = arith.constant 0 : index
    %get3A_391 = vector.load %arg2[%get3A_387, %get3A_388, %get3A_389, %get3A_390] : memref<1x32x128x256xf32, #tpu.memory_space<vmem>>, vector<1x1x128x256xf32>
    %get3A_392 = vector.shape_cast %get3A_391 : vector<1x1x128x256xf32> to vector<128x256xf32>
    %sub3A_393 = arith.subf %get3A_392, %dot_general3A_7 : vector<128x256xf32>
    %max3A_394 = arith.constant 0.000000e+00 : f32
    %max3A_395 = vector.broadcast %max3A_394 : f32 to vector<128x256xf32>
    %max3A_396 = arith.maximumf %sub3A_393, %max3A_395 : vector<128x256xf32>
    %dot_general3A_397 = arith.constant dense<0.000000e+00> : vector<512x128xf32>
    %dot_general3A_398 = tpu.matmul %get3A_10, %max3A_396, %dot_general3A_397 {dimension_numbers = #tpu.dot_dimension_numbers<[1], [1], [0], [0], [0, 0, 1, 0], [], []>, transpose_lhs_hint = false} : vector<512x256xf32>, vector<128x256xf32>, vector<512x128xf32> -> vector<512x128xf32>
    %max3A_399 = arith.maximumf %max3A_386, %dot_general3A_398 : vector<512x128xf32>
    %get3A_400 = arith.constant 0 : index
    %get3A_401 = arith.constant 30 : index
    %get3A_402 = arith.constant 0 : index
    %get3A_403 = arith.constant 0 : index
    %get3A_404 = vector.load %arg2[%get3A_400, %get3A_401, %get3A_402, %get3A_403] : memref<1x32x128x256xf32, #tpu.memory_space<vmem>>, vector<1x1x128x256xf32>
    %get3A_405 = vector.shape_cast %get3A_404 : vector<1x1x128x256xf32> to vector<128x256xf32>
    %sub3A_406 = arith.subf %get3A_405, %dot_general3A_7 : vector<128x256xf32>
    %max3A_407 = arith.constant 0.000000e+00 : f32
    %max3A_408 = vector.broadcast %max3A_407 : f32 to vector<128x256xf32>
    %max3A_409 = arith.maximumf %sub3A_406, %max3A_408 : vector<128x256xf32>
    %dot_general3A_410 = arith.constant dense<0.000000e+00> : vector<512x128xf32>
    %dot_general3A_411 = tpu.matmul %get3A_10, %max3A_409, %dot_general3A_410 {dimension_numbers = #tpu.dot_dimension_numbers<[1], [1], [0], [0], [0, 0, 1, 0], [], []>, transpose_lhs_hint = false} : vector<512x256xf32>, vector<128x256xf32>, vector<512x128xf32> -> vector<512x128xf32>
    %max3A_412 = arith.maximumf %max3A_399, %dot_general3A_411 : vector<512x128xf32>
    %get3A_413 = arith.constant 0 : index
    %get3A_414 = arith.constant 31 : index
    %get3A_415 = arith.constant 0 : index
    %get3A_416 = arith.constant 0 : index
    %get3A_417 = vector.load %arg2[%get3A_413, %get3A_414, %get3A_415, %get3A_416] : memref<1x32x128x256xf32, #tpu.memory_space<vmem>>, vector<1x1x128x256xf32>
    %get3A_418 = vector.shape_cast %get3A_417 : vector<1x1x128x256xf32> to vector<128x256xf32>
    %sub3A_419 = arith.subf %get3A_418, %dot_general3A_7 : vector<128x256xf32>
    %max3A_420 = arith.constant 0.000000e+00 : f32
    %max3A_421 = vector.broadcast %max3A_420 : f32 to vector<128x256xf32>
    %max3A_422 = arith.maximumf %sub3A_419, %max3A_421 : vector<128x256xf32>
    %dot_general3A_423 = arith.constant dense<0.000000e+00> : vector<512x128xf32>
    %dot_general3A_424 = tpu.matmul %get3A_10, %max3A_422, %dot_general3A_423 {dimension_numbers = #tpu.dot_dimension_numbers<[1], [1], [0], [0], [0, 0, 1, 0], [], []>, transpose_lhs_hint = false} : vector<512x256xf32>, vector<128x256xf32>, vector<512x128xf32> -> vector<512x128xf32>
    %max3A_425 = arith.maximumf %max3A_412, %dot_general3A_424 : vector<512x128xf32>
    %get3A_426 = arith.constant 0 : index
    %get3A_427 = arith.constant 0 : index
    %get3A_428 = vector.load %arg6[%get3A_426, %get3A_427] : memref<512x1xf32, #tpu.memory_space<vmem>>, vector<512x1xf32>
    %add3A = vector.broadcast %get3A_428 : vector<512x1xf32> to vector<512x128xf32>
    %add3A_429 = arith.addf %max3A_425, %add3A : vector<512x128xf32>
    %max3A_430 = arith.constant 0.000000e+00 : f32
    %max3A_431 = vector.broadcast %max3A_430 : f32 to vector<512x128xf32>
    %max3A_432 = arith.maximumf %add3A_429, %max3A_431 : vector<512x128xf32>
    %swap3A = arith.constant 0 : index
    %swap3A_433 = arith.constant 0 : index
    %swap3A_434 = arith.constant 0 : index
    %swap3A_435 = vector.load %arg7[%swap3A, %swap3A_433, %swap3A_434] : memref<1x512x128xf32, #tpu.memory_space<vmem>>, vector<1x512x128xf32>
    %swap3A_436 = vector.shape_cast %swap3A_435 : vector<1x512x128xf32> to vector<512x128xf32>
    %swap3A_437 = vector.shape_cast %max3A_432 : vector<512x128xf32> to vector<1x512x128xf32>
    tpu.vector_store %arg7[%swap3A, %swap3A_433, %swap3A_434], %swap3A_437 {strides = array<i32>} : memref<1x512x128xf32, #tpu.memory_space<vmem>>, vector<1x512x128xf32>,
    return
  }
  func.func @transform_0(%arg0: i32, %arg1: i32) -> (i32, i32, i32, i32) {
    %c0_i32 = arith.constant 0 : i32
    %c0_i32_0 = arith.constant 0 : i32
    %c0_i32_1 = arith.constant 0 : i32
    return %arg0, %c0_i32, %arg1, %c0_i32_0 : i32, i32, i32, i32
  }
  func.func @transform_1(%arg0: i32, %arg1: i32) -> (i32, i32, i32) {
    %c0_i32 = arith.constant 0 : i32
    %c0_i32_0 = arith.constant 0 : i32
    return %arg0, %arg1, %c0_i32 : i32, i32, i32
  }
  func.func @transform_2(%arg0: i32, %arg1: i32) -> (i32, i32) {
    %c0_i32 = arith.constant 0 : i32
    %c0_i32_0 = arith.constant 0 : i32
    %c0_i32_1 = arith.constant 0 : i32
    return %c0_i32, %c0_i32_0 : i32, i32
  }
  func.func @transform_3(%arg0: i32, %arg1: i32) -> (i32, i32) {
    %c0_i32 = arith.constant 0 : i32
    %c0_i32_0 = arith.constant 0 : i32
    %c0_i32_1 = arith.constant 0 : i32
    return %c0_i32, %c0_i32_0 : i32, i32
  }
  func.func @transform_4(%arg0: i32, %arg1: i32) -> (i32, i32) {
    %c0_i32 = arith.constant 0 : i32
    %c0_i32_0 = arith.constant 0 : i32
    %c0_i32_1 = arith.constant 0 : i32
    return %c0_i32, %c0_i32_0 : i32, i32
  }
  func.func @transform_5(%arg0: i32, %arg1: i32) -> (i32, i32, i32) {
    %c0_i32 = arith.constant 0 : i32
    %c0_i32_0 = arith.constant 0 : i32
    return %arg0, %c0_i32, %arg1 : i32, i32, i32
  }
}

module attributes {stable_mosaic.version = 14 : i64} {
  func.func @_prep_body(%arg0: i32, %arg1: memref<1x256x4096xf32, #tpu.memory_space<vmem>>, %arg2: memref<1x4096x3xf32, #tpu.memory_space<vmem>>, %arg3: memref<256x256xf32, #tpu.memory_space<vmem>>, %arg4: memref<256x3xf32, #tpu.memory_space<vmem>>, %arg5: memref<1x256xf32, #tpu.memory_space<vmem>>, %arg6: memref<1x4096x256xf32, #tpu.memory_space<vmem>>) attributes {dimension_semantics = [#tpu.dimension_semantics<arbitrary>], iteration_bounds = array<i64: 1>, scalar_prefetch = 0 : i64, scratch_operands = 0 : i64, tpu.core_type = #tpu.core_type<tc>, window_params = [{transform_indices = @transform_0, window_bounds = array<i64: 1, 256, 4096>}, {transform_indices = @transform_1, window_bounds = array<i64: 1, 4096, 3>}, {pipeline_mode = #tpu.pipeline_mode<synchronous>, transform_indices = @transform_2, window_bounds = array<i64: 256, 256>}, {pipeline_mode = #tpu.pipeline_mode<synchronous>, transform_indices = @transform_3, window_bounds = array<i64: 256, 3>}, {pipeline_mode = #tpu.pipeline_mode<synchronous>, transform_indices = @transform_4, window_bounds = array<i64: 1, 256>}, {transform_indices = @transform_5, window_bounds = array<i64: 1, 4096, 256>}]} {
    %get3A = arith.constant 0 : index
    %get3A_0 = arith.constant 0 : index
    %get3A_1 = arith.constant 0 : index
    %get3A_2 = vector.load %arg1[%get3A, %get3A_0, %get3A_1] : memref<1x256x4096xf32, #tpu.memory_space<vmem>>, vector<1x256x4096xf32>
    %get3A_3 = vector.shape_cast %get3A_2 : vector<1x256x4096xf32> to vector<256x4096xf32>
    %get3A_4 = arith.constant 0 : index
    %get3A_5 = arith.constant 0 : index
    %get3A_6 = arith.constant 0 : index
    %get3A_7 = vector.load %arg2[%get3A_4, %get3A_5, %get3A_6] : memref<1x4096x3xf32, #tpu.memory_space<vmem>>, vector<1x4096x3xf32>
    %get3A_8 = vector.shape_cast %get3A_7 : vector<1x4096x3xf32> to vector<4096x3xf32>
    %get3A_9 = arith.constant 0 : index
    %get3A_10 = arith.constant 0 : index
    %get3A_11 = vector.load %arg3[%get3A_9, %get3A_10] : memref<256x256xf32, #tpu.memory_space<vmem>>, vector<256x256xf32>
    %dot_general3A = arith.constant dense<0.000000e+00> : vector<4096x256xf32>
    %dot_general3A_12 = tpu.matmul %get3A_3, %get3A_11, %dot_general3A {dimension_numbers = #tpu.dot_dimension_numbers<[0], [1], [1], [0], [0, 1, 1, 0], [], []>, transpose_lhs_hint = false} : vector<256x4096xf32>, vector<256x256xf32>, vector<4096x256xf32> -> vector<4096x256xf32>
    %get3A_13 = arith.constant 0 : index
    %get3A_14 = arith.constant 0 : index
    %get3A_15 = vector.load %arg4[%get3A_13, %get3A_14] : memref<256x3xf32, #tpu.memory_space<vmem>>, vector<256x3xf32>
    %dot_general3A_16 = arith.constant dense<0.000000e+00> : vector<4096x256xf32>
    %dot_general3A_17 = tpu.matmul %get3A_8, %get3A_15, %dot_general3A_16 {dimension_numbers = #tpu.dot_dimension_numbers<[1], [1], [0], [0], [0, 0, 1, 0], [], []>, transpose_lhs_hint = false} : vector<4096x3xf32>, vector<256x3xf32>, vector<4096x256xf32> -> vector<4096x256xf32>
    %add3A = arith.addf %dot_general3A_12, %dot_general3A_17 : vector<4096x256xf32>
    %get3A_18 = arith.constant 0 : index
    %get3A_19 = arith.constant 0 : index
    %get3A_20 = vector.load %arg5[%get3A_18, %get3A_19] : memref<1x256xf32, #tpu.memory_space<vmem>>, vector<1x256xf32>
    %add3A_21 = vector.broadcast %get3A_20 : vector<1x256xf32> to vector<4096x256xf32>
    %add3A_22 = arith.addf %add3A, %add3A_21 : vector<4096x256xf32>
    %swap3A = arith.constant 0 : index
    %swap3A_23 = arith.constant 0 : index
    %swap3A_24 = arith.constant 0 : index
    %swap3A_25 = vector.load %arg6[%swap3A, %swap3A_23, %swap3A_24] : memref<1x4096x256xf32, #tpu.memory_space<vmem>>, vector<1x4096x256xf32>
    %swap3A_26 = vector.shape_cast %swap3A_25 : vector<1x4096x256xf32> to vector<4096x256xf32>
    %swap3A_27 = vector.shape_cast %add3A_22 : vector<4096x256xf32> to vector<1x4096x256xf32>
    tpu.vector_store %arg6[%swap3A, %swap3A_23, %swap3A_24], %swap3A_27 {strides = array<i32>} : memref<1x4096x256xf32, #tpu.memory_space<vmem>>, vector<1x4096x256xf32>,
    return
  }
  func.func @transform_0(%arg0: i32) -> (i32, i32, i32) {
    %c0_i32 = arith.constant 0 : i32
    %c0_i32_0 = arith.constant 0 : i32
    %c0_i32_1 = arith.constant 0 : i32
    return %arg0, %c0_i32, %c0_i32_0 : i32, i32, i32
  }
  func.func @transform_1(%arg0: i32) -> (i32, i32, i32) {
    %c0_i32 = arith.constant 0 : i32
    %c0_i32_0 = arith.constant 0 : i32
    %c0_i32_1 = arith.constant 0 : i32
    return %arg0, %c0_i32, %c0_i32_0 : i32, i32, i32
  }
  func.func @transform_2(%arg0: i32) -> (i32, i32) {
    %c0_i32 = arith.constant 0 : i32
    %c0_i32_0 = arith.constant 0 : i32
    %c0_i32_1 = arith.constant 0 : i32
    return %c0_i32, %c0_i32_0 : i32, i32
  }
  func.func @transform_3(%arg0: i32) -> (i32, i32) {
    %c0_i32 = arith.constant 0 : i32
    %c0_i32_0 = arith.constant 0 : i32
    %c0_i32_1 = arith.constant 0 : i32
    return %c0_i32, %c0_i32_0 : i32, i32
  }
  func.func @transform_4(%arg0: i32) -> (i32, i32) {
    %c0_i32 = arith.constant 0 : i32
    %c0_i32_0 = arith.constant 0 : i32
    %c0_i32_1 = arith.constant 0 : i32
    return %c0_i32, %c0_i32_0 : i32, i32
  }
  func.func @transform_5(%arg0: i32) -> (i32, i32, i32) {
    %c0_i32 = arith.constant 0 : i32
    %c0_i32_0 = arith.constant 0 : i32
    %c0_i32_1 = arith.constant 0 : i32
    return %arg0, %c0_i32, %c0_i32_0 : i32, i32, i32
  }
}

</mosaic_0001>

<sc_bundles>
// kernel: kernel.18.cloned.1.call-start
scs
__scs_entry_jumppad:
0x0: {  	(pc) =	sbr.rel $0x88, $3  }
0x1: {  	(tag) =	ssettag $0x0;
	lr =	simm.s32 $0x1  }
0x2: {  	[smem:$0x3F9A] =	sst lr;
	_ =	strace $0xD0000000  }
0x3: {  	_ = 	snop  }
0x4: {  	_ = 	snop  }
0x5: {  	_ = 	snop  }
0x6: {  	_ = 	snop  }
0x7: {  	_ = 	snop  }
__scs_overlays_trampoline_lowered:
0x8: {  	[smem:$0x3FA9] =	sst s0  }
0x9: {  	[smem:$0x3FAA] =	sst s1  }
0xa: {  	[smem:$0x3FAB] =	sst s2  }
0xb: {  	[smem:$0x3FAC] =	sst s3  }
0xc: {  	[smem:$0x3FAD] =	sst s4  }
0xd: {  	[smem:$0x3FAE] =	sst s5  }
0xe: {  	[smem:$0x3FAF] =	sst s6  }
0xf: {  	[smem:$0x3FB0] =	sst s7  }
0x10: {  	[smem:$0x3FB1] =	sst s8  }
0x11: {  	[smem:$0x3FB2] =	sst s9;
	s0 =	simm.s32 @!p0 $0x0  }
0x12: {  	s1 =	sld [smem:$0x3F98];
	s0 =	simm.s32 @p0 $0x1  }
0x13: {  	[smem:$0x3FB3] =	sst s0;
	s0 =	simm.s32 @!p1 $0x0  }
0x14: {  	s2 =	sld [smem:$0x3F97];
	s0 =	simm.s32 @p1 $0x1  }
0x15: {  	[smem:$0x3FB4] =	sst s0;
	s0 =	simm.s32 @!p2 $0x0  }
0x16: {  	s3 =	sld [smem:$0x3FDB];
	s0 =	simm.s32 @p2 $0x1  }
0x17: {  	s4 =	simm.s32 $0x1BF5;
	[smem:$0x3FB6] =	sst s0  }
0x18: {  	s0 =	sld [smem:$0x3F99];
	_ =	swait.ge [sflag:s4], $0x0  }
0x19: {  	s7 =	sld [smem:$0x3F9A]  }
0x1a: {  	s8 =	sadd.s32 $0xFFFFE003, lr  }
0x1b: {  	s9 =	sadd.s32 $0xFFFFFEF7, lr;
	s5 =	simm.s32 $0xFFFFFFFF;
	p2 =	slt.u32 s8, $0xFFFFF086  }
0x1c: {  	p1 =	slt.u32 s9, $0xF7A;
	s5 =	simm.s32 @!p2 $0x0  }
0x1d: {  	s5 =	simm.s32 @p1 $0x1;
	p0 =	seq.s32 s7, s2  }
0x1e: {  	s7 =	smul.u32 @!p0 $0xF7A, s2;
	p2 =	seq.s32 @!p0 s5, $0x0  }
0x1f: {  	s9 =	smul.u32 $0xF7A, s1;
	s8 =	simm.s32 @!p0 $0x1BF5;
	p2 =	por !p2, p0  }
0x20: {  	[sflag:s8] =	ssyncset.s32 @!p0 $0xFFFFF086;
	s6 =	sadd.s32 @!p0 s3, s7;
	s7 =	simm.s32 @!p0 $0x108  }
0x21: {  	s3 =	sadd.s32 s3, s9;
	s6 =	sadd.s32 @!p0 $0x88, s6;
	s7 =	simm.s32 @p2 $0x1082  }
0x22: {  	[simem:s7], [sflag:s8] =	dma.local @!p0 [hbm:s6], $0xF7A  }
0x23: {  	s9 =	sor.u32 $0xD0000000, s2;
	s6 =	simm.s32 $0x108;
	_ =	swait.ge @!p0 [sflag:s8], $0x0  }
0x24: {  	s3 =	sadd.s32 $0x88, s3;
	s6 =	simm.s32 @!p1 $0x1082;
	[sflag:s4] =	ssyncset.s32 $0xFFFFF086  }
0x25: {  	[simem:s6], [sflag:s4] =	dma.local [hbm:s3], $0xF7A  }
0x26: {  	[smem:$0x3F9A] =	sst s1;
	(tag) =	ssettag s2;
	_ =	strace s9  }
0x27: {  	s1 =	sld [smem:$0x3FAA]  }
0x28: {  	s2 =	sld [smem:$0x3FAB]  }
0x29: {  	s4 =	sld [smem:$0x3FAD]  }
0x2a: {  	p0 =	seq.s32 s5, $0x0;
	s5 =	sld [smem:$0x3FAE]  }
0x2b: {  	s6 =	sld [smem:$0x3FAF]  }
0x2c: {  	s7 =	sld [smem:$0x3FB0]  }
0x2d: {  	s3 =	simm.s32 $0x108;
	s8 =	sld [smem:$0x3FB1]  }
0x2e: {  	s3 =	simm.s32 @!p0 $0x1082;
	s9 =	sld [smem:$0x3FB2]  }
0x2f: {  	lr =	sadd.s32 s0, s3;
	s0 =	sld [smem:$0x3FA9]  }
0x30: {  	s3 =	sld [smem:$0x3FAC]  }
0x31: {  	[smem:$0x3FB5] =	sst s10  }
0x32: {  	s10 =	sld [smem:$0x3FB3];
	_ =	sdelay $0x3  }
0x33: {  	p0 =	seq.s32 s10, $0x1;
	s10 =	sld [smem:$0x3FB5];
	_ =	sdelay $0x3  }
0x34: {  	[smem:$0x3FB5] =	sst s10  }
0x35: {  	s10 =	sld [smem:$0x3FB4];
	_ =	sdelay $0x3  }
0x36: {  	p1 =	seq.s32 s10, $0x1;
	s10 =	sld [smem:$0x3FB5];
	_ =	sdelay $0x3  }
0x37: {  	[smem:$0x3FB5] =	sst s10  }
0x38: {  	s10 =	sld [smem:$0x3FB6]  }
0x39: {  	_ = 	snop;
	(pc) =	sbr.ind lr, $3  }
0x3a: {  	_ = 	snop  }
0x3b: {  	_ = 	snop  }
0x3c: {  	p2 =	seq.s32 s10, $0x1;
	s10 =	sld [smem:$0x3FB5]  }
0x3d: {  	_ =	shalt  }
0x3e: {  	_ =	shalt  }
0x3f: {  	_ =	shalt  }
0x40: {  	_ =	shalt  }
0x41: {  	_ =	shalt  }
0x42: {  	_ =	shalt  }
0x43: {  	_ =	shalt  }
0x44: {  	_ =	shalt  }
0x45: {  	_ =	shalt  }
0x46: {  	_ =	shalt  }
0x47: {  	_ =	shalt  }
0x48: {  	_ =	shalt  }
0x49: {  	_ =	shalt  }
0x4a: {  	_ =	shalt  }
0x4b: {  	_ =	shalt  }
0x4c: {  	_ =	shalt  }
0x4d: {  	_ =	shalt  }
0x4e: {  	_ =	shalt  }
0x4f: {  	_ =	shalt  }
0x50: {  	_ =	shalt  }
0x51: {  	_ =	shalt  }
0x52: {  	_ =	shalt  }
0x53: {  	_ =	shalt  }
0x54: {  	_ =	shalt  }
0x55: {  	_ =	shalt  }
0x56: {  	_ =	shalt  }
0x57: {  	_ =	shalt  }
0x58: {  	_ =	shalt  }
0x59: {  	_ =	shalt  }
0x5a: {  	_ =	shalt  }
0x5b: {  	_ =	shalt  }
0x5c: {  	_ =	shalt  }
0x5d: {  	_ =	shalt  }
0x5e: {  	_ =	shalt  }
0x5f: {  	_ =	shalt  }
0x60: {  	_ =	shalt  }
0x61: {  	_ =	shalt  }
0x62: {  	_ =	shalt  }
0x63: {  	_ =	shalt  }
0x64: {  	_ =	shalt  }
0x65: {  	_ =	shalt  }
0x66: {  	_ =	shalt  }
0x67: {  	_ =	shalt  }
0x68: {  	_ =	shalt  }
0x69: {  	_ =	shalt  }
0x6a: {  	_ =	shalt  }
0x6b: {  	_ =	shalt  }
0x6c: {  	_ =	shalt  }
0x6d: {  	_ =	shalt  }
0x6e: {  	_ =	shalt  }
0x6f: {  	_ =	shalt  }
0x70: {  	_ =	shalt  }
0x71: {  	_ =	shalt  }
0x72: {  	_ =	shalt  }
0x73: {  	_ =	shalt  }
0x74: {  	_ =	shalt  }
0x75: {  	_ =	shalt  }
0x76: {  	_ =	shalt  }
0x77: {  	_ =	shalt  }
0x78: {  	_ =	shalt  }
0x79: {  	_ =	shalt  }
0x7a: {  	_ =	shalt  }
0x7b: {  	_ =	shalt  }
0x7c: {  	_ =	shalt  }
0x7d: {  	_ =	shalt  }
0x7e: {  	_ =	shalt  }
0x7f: {  	_ =	shalt  }
0x80: {  	_ =	shalt  }
0x81: {  	_ =	shalt  }
0x82: {  	_ =	shalt  }
0x83: {  	_ =	shalt  }
0x84: {  	_ =	shalt  }
0x85: {  	_ =	shalt  }
0x86: {  	_ =	shalt  }
0x87: {  	_ =	shalt  }
.Lfunc_end0:
.L_simem_size_0:
called_computation_lowered:
.L_overlay_start_0:
0x88: {  	s2 =	sld [smem:$0x3FD9]  }
0x89: {  	s3 =	sld [smem:$0x3FFE];
	_ =	sdelay $0x1  }
0x8a: {  	s1 =	srdreg.scid  }
0x8b: {  	s0 =	sand.u32 $0x1, s1  }
0x8c: {  	s17 =	sshll.u32 s0, $0xA;
	s2 =	sadd.s32 s3, s2  }
0x8d: {  	s2 =	sadd.s32 s2, s17  }
0x8e: {  	[smem:$0x3FC1] =	sst s2  }
0x8f: {  	_ = 	snop  }
0x90: {  	(tm) =	ssettm $0x1  }
0x91: {  	s18 =	sld [smem:$0x3FFB];
	_ =	sdelay $0x3  }
0x92: {  	_ =	strace s18  }
0x93: {  	s2 =	sld [smem:$0x3FFC];
	_ =	sdelay $0x3  }
0x94: {  	_ =	strace s2  }
0x95: {  	s2 =	sld [smem:$0x3FFD];
	_ =	sdelay $0x3  }
0x96: {  	_ =	strace s2  }
0x97: {  	_ =	strace $0x8FFFFFFF  }
0x98: {  	s19 =	sld [smem:$0x3FDB];
	_ =	sdelay $0x1  }
0x99: {  	s20 =	simm.s32 $_scs_section_size  }
0x9a: {  	s4 =	simm.s32 $_size__tile_overlayer_lowered;
	s5 =	simm.s32 $_tile_overlayer_lowered  }
0x9b: {  	s6 =	simm.s32 $0x1BFF;
	s21 =	sshll.u32 s5, $0x1;
	s3 =	sadd.s32 s20, s19  }
0x9c: {  	s22 =	simm.s32 $0x0;
	s4 =	sshll.u32 s4, $0x1;
	s5 =	sadd.s32 s21, s3  }
0x9d: {  	[timem:s22], [sflag:s6] =	dma.local [hbm:s5], s4  }
0x9e: {  	_ =	swait.ge [sflag:s6], s4  }
0x9f: {  	s4 =	ssub.s32 $0x0, s4;
	[sflag:s6] =	ssyncset.done $0x0  }
0xa0: {  	[sflag:s6] =	ssyncadd.s32 s4;
	_ =	sdelay $0x1  }
0xa1: {  	s23 =	simm.s32 $0x1B8B  }
0xa2: {  	_ =	swait.ge [sflag:s23], $0x1  }
0xa3: {  	[sflag:s23] =	ssyncset.done $0x0  }
0xa4: {  	[sflag:s23] =	ssyncadd.s32 $0xFFFFFFFF  }
0xa5: {  	s4 =	sld [smem:$0x0]  }
0xa6: {  	s5 =	sand.u32 $0xFFFFFFFE, s1  }
0xa7: {  	p0 =	sne.s32 s1, s5  }
0xa8: {  	s5 =	sshll.u32 @p0 s5, $0xE  }
0xa9: {  	s5 =	sadd.s32 @p0 $0x11B8D, s5;
	s6 =	sshll.u32 @p0 s4, $0x11  }
0xaa: {  	s5 =	sor.u32 @p0 s6, s5  }
0xab: {  	[sflag:s5] =	ssyncadd.remote.s32 @p0 $0x1;
	_ =	sdelay $0x1  }
0xac: {  	s5 =	simm.s32 @p0 $0x1B8D  }
0xad: {  	_ =	swait.eq @p0 [sflag:s5], $0x1  }
0xae: {  	[sflag:s5] =	ssyncadd.s32 @p0 $0xFFFFFFFF  }
0xaf: {  	s6 =	sshll.u32 @!p0 s1, $0xE  }
0xb0: {  	s6 =	sor.u32 @!p0 $0x4000, s6;
	s5 =	simm.s32 @!p0 $0x1B8D  }
0xb1: {  	s4 =	sshll.u32 @!p0 s4, $0x11;
	s6 =	sadd.s32 @!p0 $0x11B8D, s6;
	_ =	swait.eq @!p0 [sflag:s5], $0x1  }
0xb2: {  	s4 =	sor.u32 @!p0 s4, s6;
	[sflag:s5] =	ssyncadd.s32 @!p0 $0xFFFFFFFF  }
0xb3: {  	s25 =	simm.s32 $0x1B8E;
	s24 =	sld [smem:$0x3FFE];
	[sflag:s4] =	ssyncadd.remote.s32 @!p0 $0x1  }
0xb4: {  	s26 =	simm.s32 $execute0_lowered;
	[smem:$0x3FD2] =	sst s25  }
0xb5: {  	s5 =	sshll.u32 s26, $0x1;
	_ =	strace $0x80000049;
	[dreg:$0x1] =	wrdreg $0xFFFFFFFF  }
0xb6: {  	s28 =	simm.s32 $_size_execute0_lowered;
	s3 =	sadd.s32 s3, s5;
	[dreg:$0x0] =	wrdreg $0x0  }
0xb7: {  	s5 =	sshll.u32 s28, $0x1;
	[dreg:$0x2] =	wrdreg s3  }
0xb8: {  	[dreg:$0x3] =	wrdreg s5  }
0xb9: {  	[dreg:$0x4] =	wrdreg $0xC0  }
0xba: {  	_ =	task [dreg:s22], $0x5FFFF  }
0xbb: {  	[dreg:$0x1] =	wrdreg $0xFFFFFFFF  }
0xbc: {  	[dreg:$0x0] =	wrdreg $0x60  }
0xbd: {  	[dreg:$0x2] =	wrdreg s24  }
0xbe: {  	[dreg:$0x3] =	wrdreg $0x9  }
0xbf: {  	_ =	task.clear_ibuf [dreg:s22], $0x4FFFF;
	_ =	strace $0x90000049  }
0xc0: {  	s29 =	simm.s32 $0x9;
	_ =	strace $0x8000004B  }
0xc1: {  	_ =	swait.ge [sflag:s29], $0x1  }
0xc2: {  	[sflag:s29] =	ssyncadd.s32 $0xFFFFFFFF  }
0xc3: {  	_ =	strace $0x9000004B  }
0xc4: {  	_ =	sfence  }
0xc5: {  	s30 =	sld [smem:$0x0];
	_ =	sdelay $0x2  }
0xc6: {  	s31 =	sshll.u32 s1, $0xD;
	s1 =	sshrl.u32 s1, $0x2  }
0xc7: {  	s4 =	sand.u32 $0x4000, s31;
	s1 =	sadd.s32 s1, s30  }
0xc8: {  	s0 =	sor.u32 s4, s0;
	s1 =	sshll.u32 s1, $0x11  }
0xc9: {  	s0 =	sor.u32 s1, s0  }
0xca: {  	s0 =	sadd.s32 $0x8F2B, s0  }
0xcb: {  	[sflag:s0] =	ssyncadd.remote.s32 $0x1  }
0xcc: {  	_ =	sfence.sel $0xFFFF  }
0xcd: {  	[dreg:$0x0] =	wrdreg $0xFFFFFFFF;
	(pc) =	sbr.abs _section_cstart, $3  }
0xce: {  	[dreg:$0x1] =	wrdreg $0xFFFFFFFF  }
0xcf: {  	_ =	task.clear_ibuf [dreg:s22], $0x2FFFF;
	_ =	strace $0x9FFFFFFF  }
0xd0: {  	(tm) =	ssettm $0x7FFFFFFF  }
0xd1: {  	_ =	shalt  }
tec
execute0_lowered:
.L_overlay_start_1:
0x0: {  	(tag) =	ssettag $0x1  }
0x1: {  	s4 =	rddreg [dreg:$0x0]  }
0x2: {  	s0 =	rddreg [dreg:$0x1];
	s2 =	simm.s32 $0x0;
	s3 =	srdreg.scid  }
0x3: {  	s1 =	stileid.u32;
	s10 =	simm.s32 $0x1080;
	s11 =	simm.s32 $0x1880  }
0x4: {  	s12 =	simm.s32 $0x2080;
	s13 =	simm.s32 $0x2880;
	s14 =	simm.s32 $0x3080  }
0x5: {  	s15 =	simm.s32 $0x3880;
	s16 =	simm.s32 $0x4080;
	s17 =	simm.s32 $0x4880  }
0x6: {  	s18 =	simm.s32 $0x5080;
	s19 =	simm.s32 $0x5880;
	s20 =	simm.s32 $0x6080  }
0x7: {  	s21 =	simm.s32 $0x6880;
	s22 =	simm.s32 $0x7080;
	s23 =	simm.s32 $0x7880  }
0x8: {  	s24 =	simm.s32 $0x1;
	s25 =	simm.s32 $0x0;
	[smem:$0x7FF] =	sst s2  }
0x9: {  	s5 =	sand.u32 $0x1, s3;
	s6 =	sshll.u32 s1, $0xB;
	s3 =	sadd.s32 $0x128C00, s4  }
0xa: {  	s8 =	sshll.u32 s1, $0x10;
	_ =	strace $0x8000004A;
	s7 =	sshll.u32 s5, $0xA  }
0xb: {  	s31 =	ssub.s32 $0x2, s5;
	s8 =	sadd.s32 s8, s4;
	s5 =	sshll.u32 s5, $0xF  }
0xc: {  	s6 =	sor.u32 s7, s6;
	s9 =	sshrl.u32 s31, $0x1;
	s5 =	sadd.s32 s5, s8  }
0xd: {  	v2 =	vlaneseq.u32;
	s8 =	simm.s32 $0x80;
	s6 =	sshrl.u32 s6, $0x3;
	s7 =	ssub.s32 s31, s9  }
0xe: {  	vm0 =	vmmov $0xffff;
	v1 =	vshrl.u32 v2, $0x3;
	s5 =	sadd.s32 $0x148C00, s5;
	s9 =	simm.s32 $0x880;
	s6 =	sadd.s32 s6, s4  }
0xf: {  	v0 =	vand.u32 $0x7, v2;
	v2 =	vor.u32 $0x8, v2;
	v1 =	vmul.u32 $0x8, v1;
	s4 =	smax.u32 s7, $0x1;
	s7 =	simm.s32 $0x2;
	s6 =	sadd.s32 $0x127C00, s6  }
.LBB2_1:
0x10: {  	s26 =	smov.u32 s5;
	s28 =	simm.s32 $0x0  }
.LBB2_2:
0x11: {  	s29 =	sadd.s32 s28, s6  }
0x12: {  	[tilespmem:s2], [sflag:$0x2] =	stream.linear.gather [hbm4b:s29+s2], $0x80, $0x38;
	[tilespmem:$0x8080] =	vst v63  }
0x13: {  	_ =	swait.ge [sflag:s7], $0x80  }
0x14: {  	[sflag:s7] =	ssyncset.done $0x0  }
0x15: {  	[sflag:s7] =	ssyncadd.s32 $0xFFFFFF80  }
0x16: {  	v3 =	vld [tilespmem:$0x0];
	_ =	sdelay $0x4  }
0x17: {  	v4 =	vshll.u32 v3, $0x1  }
0x18: {  	v3 =	vand.u32 $0x7, v3;
	v4 =	vand.u32 $0xFFFFFFF0, v4  }
0x19: {  	v3 =	vor.u32 v3, v4  }
0x1a: {  	v4 =	vperm.xlane v3, v0;
	_ =	sdelay $0x1  }
0x1b: {  	v3 =	vperm.xlane v3, v2;
	v4 =	vadd.s32 v1, v4;
	_ =	sdelay $0x1  }
0x1c: {  	v3 =	vadd.s32 v1, v3;
	_ =	sdelay $0x2  }
0x1d: {  	[tilespmem:s8], [sflag:$0x1] =	stream.indirect_vreg.gather [hbm4b:s3+s2], $0x80, v4, vm0, $0xb8;
	[tilespmem:$0x8080] =	vst v63  }
0x1e: {  	_ = 	snop  }
0x1f: {  	[tilespmem:s9], [sflag:$0x1] =	stream.indirect_vreg.gather [hbm4b:s3+s2], $0x80, v3, vm0, $0xb8;
	[tilespmem:$0x8080] =	vst v63  }
0x20: {  	v3 =	vld [tilespmem:$0x10];
	_ =	sdelay $0x4  }
0x21: {  	v57 =	vshll.u32 v3, $0x1  }
0x22: {  	v3 =	vand.u32 $0x7, v3;
	v4 =	vand.u32 $0xFFFFFFF0, v57  }
0x23: {  	v3 =	vor.u32 v3, v4  }
0x24: {  	v4 =	vperm.xlane v3, v0;
	_ =	sdelay $0x1  }
0x25: {  	v3 =	vperm.xlane v3, v2;
	v4 =	vadd.s32 v1, v4;
	_ =	sdelay $0x1  }
0x26: {  	v3 =	vadd.s32 v1, v3;
	_ =	sdelay $0x2  }
0x27: {  	[tilespmem:s10], [sflag:$0x1] =	stream.indirect_vreg.gather [hbm4b:s3+s2], $0x80, v4, vm0, $0xb8;
	[tilespmem:$0x8080] =	vst v63  }
0x28: {  	_ = 	snop  }
0x29: {  	[tilespmem:s11], [sflag:$0x1] =	stream.indirect_vreg.gather [hbm4b:s3+s2], $0x80, v3, vm0, $0xb8;
	[tilespmem:$0x8080] =	vst v63  }
0x2a: {  	v3 =	vld [tilespmem:$0x20];
	_ =	sdelay $0x4  }
0x2b: {  	v58 =	vshll.u32 v3, $0x1  }
0x2c: {  	v3 =	vand.u32 $0x7, v3;
	v4 =	vand.u32 $0xFFFFFFF0, v58  }
0x2d: {  	v3 =	vor.u32 v3, v4  }
0x2e: {  	v4 =	vperm.xlane v3, v0;
	_ =	sdelay $0x1  }
0x2f: {  	v3 =	vperm.xlane v3, v2;
	v4 =	vadd.s32 v1, v4;
	_ =	sdelay $0x1  }
0x30: {  	v3 =	vadd.s32 v1, v3;
	_ =	sdelay $0x2  }
0x31: {  	[tilespmem:s12], [sflag:$0x1] =	stream.indirect_vreg.gather [hbm4b:s3+s2], $0x80, v4, vm0, $0xb8;
	[tilespmem:$0x8080] =	vst v63  }
0x32: {  	_ = 	snop  }
0x33: {  	[tilespmem:s13], [sflag:$0x1] =	stream.indirect_vreg.gather [hbm4b:s3+s2], $0x80, v3, vm0, $0xb8;
	[tilespmem:$0x8080] =	vst v63  }
0x34: {  	v3 =	vld [tilespmem:$0x30];
	_ =	sdelay $0x4  }
0x35: {  	v59 =	vshll.u32 v3, $0x1  }
0x36: {  	v3 =	vand.u32 $0x7, v3;
	v4 =	vand.u32 $0xFFFFFFF0, v59  }
0x37: {  	v3 =	vor.u32 v3, v4  }
0x38: {  	v4 =	vperm.xlane v3, v0;
	_ =	sdelay $0x1  }
0x39: {  	v3 =	vperm.xlane v3, v2;
	v4 =	vadd.s32 v1, v4;
	_ =	sdelay $0x1  }
0x3a: {  	v3 =	vadd.s32 v1, v3;
	_ =	sdelay $0x2  }
0x3b: {  	[tilespmem:s14], [sflag:$0x1] =	stream.indirect_vreg.gather [hbm4b:s3+s2], $0x80, v4, vm0, $0xb8;
	[tilespmem:$0x8080] =	vst v63  }
0x3c: {  	_ = 	snop  }
0x3d: {  	[tilespmem:s15], [sflag:$0x1] =	stream.indirect_vreg.gather [hbm4b:s3+s2], $0x80, v3, vm0, $0xb8;
	[tilespmem:$0x8080] =	vst v63  }
0x3e: {  	v3 =	vld [tilespmem:$0x40];
	_ =	sdelay $0x4  }
0x3f: {  	v60 =	vshll.u32 v3, $0x1  }
0x40: {  	v3 =	vand.u32 $0x7, v3;
	v4 =	vand.u32 $0xFFFFFFF0, v60  }
0x41: {  	v3 =	vor.u32 v3, v4  }
0x42: {  	v4 =	vperm.xlane v3, v0;
	_ =	sdelay $0x1  }
0x43: {  	v3 =	vperm.xlane v3, v2;
	v4 =	vadd.s32 v1, v4;
	_ =	sdelay $0x1  }
0x44: {  	v3 =	vadd.s32 v1, v3;
	_ =	sdelay $0x2  }
0x45: {  	[tilespmem:s16], [sflag:$0x1] =	stream.indirect_vreg.gather [hbm4b:s3+s2], $0x80, v4, vm0, $0xb8;
	[tilespmem:$0x8080] =	vst v63  }
0x46: {  	_ = 	snop  }
0x47: {  	[tilespmem:s17], [sflag:$0x1] =	stream.indirect_vreg.gather [hbm4b:s3+s2], $0x80, v3, vm0, $0xb8;
	[tilespmem:$0x8080] =	vst v63  }
0x48: {  	v3 =	vld [tilespmem:$0x50];
	_ =	sdelay $0x4  }
0x49: {  	v61 =	vshll.u32 v3, $0x1  }
0x4a: {  	v3 =	vand.u32 $0x7, v3;
	v4 =	vand.u32 $0xFFFFFFF0, v61  }
0x4b: {  	v3 =	vor.u32 v3, v4  }
0x4c: {  	v4 =	vperm.xlane v3, v0;
	_ =	sdelay $0x1  }
0x4d: {  	v3 =	vperm.xlane v3, v2;
	v4 =	vadd.s32 v1, v4;
	_ =	sdelay $0x1  }
0x4e: {  	v3 =	vadd.s32 v1, v3;
	_ =	sdelay $0x2  }
0x4f: {  	[tilespmem:s18], [sflag:$0x1] =	stream.indirect_vreg.gather [hbm4b:s3+s2], $0x80, v4, vm0, $0xb8;
	[tilespmem:$0x8080] =	vst v63  }
0x50: {  	_ = 	snop  }
0x51: {  	[tilespmem:s19], [sflag:$0x1] =	stream.indirect_vreg.gather [hbm4b:s3+s2], $0x80, v3, vm0, $0xb8;
	[tilespmem:$0x8080] =	vst v63  }
0x52: {  	v3 =	vld [tilespmem:$0x60];
	_ =	sdelay $0x4  }
0x53: {  	v62 =	vshll.u32 v3, $0x1  }
0x54: {  	v3 =	vand.u32 $0x7, v3;
	v4 =	vand.u32 $0xFFFFFFF0, v62  }
0x55: {  	v3 =	vor.u32 v3, v4  }
0x56: {  	v4 =	vperm.xlane v3, v0;
	_ =	sdelay $0x1  }
0x57: {  	v3 =	vperm.xlane v3, v2;
	v4 =	vadd.s32 v1, v4;
	_ =	sdelay $0x1  }
0x58: {  	v3 =	vadd.s32 v1, v3;
	_ =	sdelay $0x2  }
0x59: {  	[tilespmem:s20], [sflag:$0x1] =	stream.indirect_vreg.gather [hbm4b:s3+s2], $0x80, v4, vm0, $0xb8;
	[tilespmem:$0x8080] =	vst v63  }
0x5a: {  	_ = 	snop  }
0x5b: {  	[tilespmem:s21], [sflag:$0x1] =	stream.indirect_vreg.gather [hbm4b:s3+s2], $0x80, v3, vm0, $0xb8;
	[tilespmem:$0x8080] =	vst v63  }
0x5c: {  	v3 =	vld [tilespmem:$0x70];
	_ =	sdelay $0x4  }
0x5d: {  	v63 =	vshll.u32 v3, $0x1  }
0x5e: {  	v3 =	vand.u32 $0x7, v3;
	v4 =	vand.u32 $0xFFFFFFF0, v63  }
0x5f: {  	v3 =	vor.u32 v3, v4  }
0x60: {  	v4 =	vperm.xlane v3, v0;
	_ =	sdelay $0x1  }
0x61: {  	v3 =	vperm.xlane v3, v2;
	v4 =	vadd.s32 v1, v4;
	_ =	sdelay $0x1  }
0x62: {  	v3 =	vadd.s32 v1, v3;
	_ =	sdelay $0x2  }
0x63: {  	[tilespmem:s22], [sflag:$0x1] =	stream.indirect_vreg.gather [hbm4b:s3+s2], $0x80, v4, vm0, $0xb8;
	[tilespmem:$0x8080] =	vst v63  }
0x64: {  	_ = 	snop  }
0x65: {  	[tilespmem:s23], [sflag:$0x1] =	stream.indirect_vreg.gather [hbm4b:s3+s2], $0x80, v3, vm0, $0xb8;
	[tilespmem:$0x8080] =	vst v63  }
0x66: {  	_ =	swait.ge [sflag:s24], $0x8000  }
0x67: {  	p0 =	sne.s32 s28, $0x70;
	[sflag:s24] =	ssyncset.done $0x0  }
.Ltmp0:
0x68: {  	[sflag:s24] =	ssyncadd.s32 $0xFFFF8000;
	(pc) =	sbr.rel @p0 .LBB2_2-.Ltmp0, $4  }
0x69: {  	[hbm4b:s26+s2] =	stream.linear.scatter [tilespmem:s8], [sflag:$0x2], $0x8000, $0x38;
	[tilespmem:$0x8080] =	vst v63  }
0x6a: {  	_ =	swait.ge [sflag:s7], $0x8000  }
0x6b: {  	[sflag:s7] =	ssyncset.done $0x0  }
0x6c: {  	s28 =	sadd.s32 $0x10, s28;
	s26 =	sadd.s32 $0x1000, s26;
	[sflag:s7] =	ssyncadd.s32 $0xFFFF8000  }
0x6d: {  	s25 =	sadd.s32 $0x1, s25  }
0x6e: {  	p0 =	sne.s32 s25, s4  }
.Ltmp1:
0x6f: {  	_ = 	snop;
	(pc) =	sbr.rel @p0 .LBB2_1-.Ltmp1, $1  }
0x70: {  	_ =	sdelay $0x3  }
0x71: {  	_ =	sfence.sel $0x180000  }
0x72: {  	[bflag:$0x0] =	sbarrier.arrive $0xFFFF  }
0x73: {  	p0 =	sne.s32 s1, $0x0;
	_ =	strace $0x9000004A  }
0x74: {  	s0 =	sadd.s32 @!p0 $0x100000, s0;
	[bflag:$0x2] =	sbarrier.arrive $0xFFFF  }
0x75: {  	[sflag:s0] =	ssyncadd.tile.s32 @!p0 $0x1;
	_ =	shalt  }
.Lfunc_end2:
_tile_overlayer_lowered:
.L_overlay_start_2:
0x76: {  	(tag) =	ssettag $0x2  }
0x77: {  	s0 =	rddreg [dreg:$0x0];
	s2 =	stileid.u32  }
0x78: {  	s1 =	rddreg [dreg:$0x1];
	p0 =	sne.s32 s2, $0x0  }
0x79: {  	s3 =	rddreg [dreg:$0x2];
	[bflag:$0x3] =	sbarrier.arrive $0xFFFF;
	s2 =	simm.s32 @!p0 $0x1C02  }
0x7a: {  	[timem:s3], [sflag:s2] =	dma.local @!p0 [hbm:s0], s1  }
0x7b: {  	s0 =	simm.s32 @!p0 $0x2  }
0x7c: {  	_ =	swait.ge @!p0 [sflag:s0], s1  }
0x7d: {  	s1 =	ssub.s32 @!p0 $0x0, s1;
	[sflag:s0] =	ssyncset.done @!p0 $0x0  }
0x7e: {  	[sflag:s0] =	ssyncadd.s32 @!p0 s1  }
0x7f: {  	[bflag:$0x3] =	sbarrier.arrive $0xFFFF  }
0x80: {  	_ =	shalt  }

// kernel: kernel.21.cloned.1.call-start
scs
__scs_entry_jumppad:
0x0: {  	(pc) =	sbr.rel $0x88, $3  }
0x1: {  	(tag) =	ssettag $0x0;
	lr =	simm.s32 $0x1  }
0x2: {  	[smem:$0x3F9A] =	sst lr;
	_ =	strace $0xD0000000  }
0x3: {  	_ = 	snop  }
0x4: {  	_ = 	snop  }
0x5: {  	_ = 	snop  }
0x6: {  	_ = 	snop  }
0x7: {  	_ = 	snop  }
__scs_overlays_trampoline_lowered:
0x8: {  	[smem:$0x3FA9] =	sst s0  }
0x9: {  	[smem:$0x3FAA] =	sst s1  }
0xa: {  	[smem:$0x3FAB] =	sst s2  }
0xb: {  	[smem:$0x3FAC] =	sst s3  }
0xc: {  	[smem:$0x3FAD] =	sst s4  }
0xd: {  	[smem:$0x3FAE] =	sst s5  }
0xe: {  	[smem:$0x3FAF] =	sst s6  }
0xf: {  	[smem:$0x3FB0] =	sst s7  }
0x10: {  	[smem:$0x3FB1] =	sst s8  }
0x11: {  	[smem:$0x3FB2] =	sst s9;
	s0 =	simm.s32 @!p0 $0x0  }
0x12: {  	s1 =	sld [smem:$0x3F98];
	s0 =	simm.s32 @p0 $0x1  }
0x13: {  	[smem:$0x3FB3] =	sst s0;
	s0 =	simm.s32 @!p1 $0x0  }
0x14: {  	s2 =	sld [smem:$0x3F97];
	s0 =	simm.s32 @p1 $0x1  }
0x15: {  	[smem:$0x3FB4] =	sst s0;
	s0 =	simm.s32 @!p2 $0x0  }
0x16: {  	s3 =	sld [smem:$0x3FDB];
	s0 =	simm.s32 @p2 $0x1  }
0x17: {  	s4 =	simm.s32 $0x1BF5;
	[smem:$0x3FB6] =	sst s0  }
0x18: {  	s0 =	sld [smem:$0x3F99];
	_ =	swait.ge [sflag:s4], $0x0  }
0x19: {  	s7 =	sld [smem:$0x3F9A]  }
0x1a: {  	s8 =	sadd.s32 $0xFFFFE003, lr  }
0x1b: {  	s9 =	sadd.s32 $0xFFFFFEF7, lr;
	s5 =	simm.s32 $0xFFFFFFFF;
	p2 =	slt.u32 s8, $0xFFFFF086  }
0x1c: {  	p1 =	slt.u32 s9, $0xF7A;
	s5 =	simm.s32 @!p2 $0x0  }
0x1d: {  	s5 =	simm.s32 @p1 $0x1;
	p0 =	seq.s32 s7, s2  }
0x1e: {  	s7 =	smul.u32 @!p0 $0xF7A, s2;
	p2 =	seq.s32 @!p0 s5, $0x0  }
0x1f: {  	s9 =	smul.u32 $0xF7A, s1;
	s8 =	simm.s32 @!p0 $0x1BF5;
	p2 =	por !p2, p0  }
0x20: {  	[sflag:s8] =	ssyncset.s32 @!p0 $0xFFFFF086;
	s6 =	sadd.s32 @!p0 s3, s7;
	s7 =	simm.s32 @!p0 $0x108  }
0x21: {  	s3 =	sadd.s32 s3, s9;
	s6 =	sadd.s32 @!p0 $0x88, s6;
	s7 =	simm.s32 @p2 $0x1082  }
0x22: {  	[simem:s7], [sflag:s8] =	dma.local @!p0 [hbm:s6], $0xF7A  }
0x23: {  	s9 =	sor.u32 $0xD0000000, s2;
	s6 =	simm.s32 $0x108;
	_ =	swait.ge @!p0 [sflag:s8], $0x0  }
0x24: {  	s3 =	sadd.s32 $0x88, s3;
	s6 =	simm.s32 @!p1 $0x1082;
	[sflag:s4] =	ssyncset.s32 $0xFFFFF086  }
0x25: {  	[simem:s6], [sflag:s4] =	dma.local [hbm:s3], $0xF7A  }
0x26: {  	[smem:$0x3F9A] =	sst s1;
	(tag) =	ssettag s2;
	_ =	strace s9  }
0x27: {  	s1 =	sld [smem:$0x3FAA]  }
0x28: {  	s2 =	sld [smem:$0x3FAB]  }
0x29: {  	s4 =	sld [smem:$0x3FAD]  }
0x2a: {  	p0 =	seq.s32 s5, $0x0;
	s5 =	sld [smem:$0x3FAE]  }
0x2b: {  	s6 =	sld [smem:$0x3FAF]  }
0x2c: {  	s7 =	sld [smem:$0x3FB0]  }
0x2d: {  	s3 =	simm.s32 $0x108;
	s8 =	sld [smem:$0x3FB1]  }
0x2e: {  	s3 =	simm.s32 @!p0 $0x1082;
	s9 =	sld [smem:$0x3FB2]  }
0x2f: {  	lr =	sadd.s32 s0, s3;
	s0 =	sld [smem:$0x3FA9]  }
0x30: {  	s3 =	sld [smem:$0x3FAC]  }
0x31: {  	[smem:$0x3FB5] =	sst s10  }
0x32: {  	s10 =	sld [smem:$0x3FB3];
	_ =	sdelay $0x3  }
0x33: {  	p0 =	seq.s32 s10, $0x1;
	s10 =	sld [smem:$0x3FB5];
	_ =	sdelay $0x3  }
0x34: {  	[smem:$0x3FB5] =	sst s10  }
0x35: {  	s10 =	sld [smem:$0x3FB4];
	_ =	sdelay $0x3  }
0x36: {  	p1 =	seq.s32 s10, $0x1;
	s10 =	sld [smem:$0x3FB5];
	_ =	sdelay $0x3  }
0x37: {  	[smem:$0x3FB5] =	sst s10  }
0x38: {  	s10 =	sld [smem:$0x3FB6]  }
0x39: {  	_ = 	snop;
	(pc) =	sbr.ind lr, $3  }
0x3a: {  	_ = 	snop  }
0x3b: {  	_ = 	snop  }
0x3c: {  	p2 =	seq.s32 s10, $0x1;
	s10 =	sld [smem:$0x3FB5]  }
0x3d: {  	_ =	shalt  }
0x3e: {  	_ =	shalt  }
0x3f: {  	_ =	shalt  }
0x40: {  	_ =	shalt  }
0x41: {  	_ =	shalt  }
0x42: {  	_ =	shalt  }
0x43: {  	_ =	shalt  }
0x44: {  	_ =	shalt  }
0x45: {  	_ =	shalt  }
0x46: {  	_ =	shalt  }
0x47: {  	_ =	shalt  }
0x48: {  	_ =	shalt  }
0x49: {  	_ =	shalt  }
0x4a: {  	_ =	shalt  }
0x4b: {  	_ =	shalt  }
0x4c: {  	_ =	shalt  }
0x4d: {  	_ =	shalt  }
0x4e: {  	_ =	shalt  }
0x4f: {  	_ =	shalt  }
0x50: {  	_ =	shalt  }
0x51: {  	_ =	shalt  }
0x52: {  	_ =	shalt  }
0x53: {  	_ =	shalt  }
0x54: {  	_ =	shalt  }
0x55: {  	_ =	shalt  }
0x56: {  	_ =	shalt  }
0x57: {  	_ =	shalt  }
0x58: {  	_ =	shalt  }
0x59: {  	_ =	shalt  }
0x5a: {  	_ =	shalt  }
0x5b: {  	_ =	shalt  }
0x5c: {  	_ =	shalt  }
0x5d: {  	_ =	shalt  }
0x5e: {  	_ =	shalt  }
0x5f: {  	_ =	shalt  }
0x60: {  	_ =	shalt  }
0x61: {  	_ =	shalt  }
0x62: {  	_ =	shalt  }
0x63: {  	_ =	shalt  }
0x64: {  	_ =	shalt  }
0x65: {  	_ =	shalt  }
0x66: {  	_ =	shalt  }
0x67: {  	_ =	shalt  }
0x68: {  	_ =	shalt  }
0x69: {  	_ =	shalt  }
0x6a: {  	_ =	shalt  }
0x6b: {  	_ =	shalt  }
0x6c: {  	_ =	shalt  }
0x6d: {  	_ =	shalt  }
0x6e: {  	_ =	shalt  }
0x6f: {  	_ =	shalt  }
0x70: {  	_ =	shalt  }
0x71: {  	_ =	shalt  }
0x72: {  	_ =	shalt  }
0x73: {  	_ =	shalt  }
0x74: {  	_ =	shalt  }
0x75: {  	_ =	shalt  }
0x76: {  	_ =	shalt  }
0x77: {  	_ =	shalt  }
0x78: {  	_ =	shalt  }
0x79: {  	_ =	shalt  }
0x7a: {  	_ =	shalt  }
0x7b: {  	_ =	shalt  }
0x7c: {  	_ =	shalt  }
0x7d: {  	_ =	shalt  }
0x7e: {  	_ =	shalt  }
0x7f: {  	_ =	shalt  }
0x80: {  	_ =	shalt  }
0x81: {  	_ =	shalt  }
0x82: {  	_ =	shalt  }
0x83: {  	_ =	shalt  }
0x84: {  	_ =	shalt  }
0x85: {  	_ =	shalt  }
0x86: {  	_ =	shalt  }
0x87: {  	_ =	shalt  }
.Lfunc_end0:
.L_simem_size_0:
called_computation.1_lowered:
.L_overlay_start_0:
0x88: {  	s2 =	sld [smem:$0x3FD9]  }
0x89: {  	s3 =	sld [smem:$0x3FFE];
	_ =	sdelay $0x1  }
0x8a: {  	s1 =	srdreg.scid  }
0x8b: {  	s0 =	sand.u32 $0x1, s1  }
0x8c: {  	s17 =	sshll.u32 s0, $0xA;
	s2 =	sadd.s32 s3, s2  }
0x8d: {  	s2 =	sadd.s32 s2, s17  }
0x8e: {  	[smem:$0x3FC1] =	sst s2  }
0x8f: {  	_ = 	snop  }
0x90: {  	(tm) =	ssettm $0x1  }
0x91: {  	s18 =	sld [smem:$0x3FFB];
	_ =	sdelay $0x3  }
0x92: {  	_ =	strace s18  }
0x93: {  	s2 =	sld [smem:$0x3FFC];
	_ =	sdelay $0x3  }
0x94: {  	_ =	strace s2  }
0x95: {  	s2 =	sld [smem:$0x3FFD];
	_ =	sdelay $0x3  }
0x96: {  	_ =	strace s2  }
0x97: {  	_ =	strace $0x8FFFFFFF  }
0x98: {  	s19 =	sld [smem:$0x3FDB];
	_ =	sdelay $0x1  }
0x99: {  	s20 =	simm.s32 $_scs_section_size  }
0x9a: {  	s4 =	simm.s32 $_size__tile_overlayer_lowered;
	s5 =	simm.s32 $_tile_overlayer_lowered  }
0x9b: {  	s6 =	simm.s32 $0x1BFF;
	s21 =	sshll.u32 s5, $0x1;
	s3 =	sadd.s32 s20, s19  }
0x9c: {  	s22 =	simm.s32 $0x0;
	s4 =	sshll.u32 s4, $0x1;
	s5 =	sadd.s32 s21, s3  }
0x9d: {  	[timem:s22], [sflag:s6] =	dma.local [hbm:s5], s4  }
0x9e: {  	_ =	swait.ge [sflag:s6], s4  }
0x9f: {  	s4 =	ssub.s32 $0x0, s4;
	[sflag:s6] =	ssyncset.done $0x0  }
0xa0: {  	[sflag:s6] =	ssyncadd.s32 s4;
	_ =	sdelay $0x1  }
0xa1: {  	s23 =	simm.s32 $0x1B8B  }
0xa2: {  	_ =	swait.ge [sflag:s23], $0x1  }
0xa3: {  	[sflag:s23] =	ssyncset.done $0x0  }
0xa4: {  	[sflag:s23] =	ssyncadd.s32 $0xFFFFFFFF  }
0xa5: {  	s4 =	sld [smem:$0x0]  }
0xa6: {  	s5 =	sand.u32 $0xFFFFFFFE, s1  }
0xa7: {  	p0 =	sne.s32 s1, s5  }
0xa8: {  	s5 =	sshll.u32 @p0 s5, $0xE  }
0xa9: {  	s5 =	sadd.s32 @p0 $0x11B8D, s5;
	s6 =	sshll.u32 @p0 s4, $0x11  }
0xaa: {  	s5 =	sor.u32 @p0 s6, s5  }
0xab: {  	[sflag:s5] =	ssyncadd.remote.s32 @p0 $0x1;
	_ =	sdelay $0x1  }
0xac: {  	s5 =	simm.s32 @p0 $0x1B8D  }
0xad: {  	_ =	swait.eq @p0 [sflag:s5], $0x1  }
0xae: {  	[sflag:s5] =	ssyncadd.s32 @p0 $0xFFFFFFFF  }
0xaf: {  	s6 =	sshll.u32 @!p0 s1, $0xE  }
0xb0: {  	s6 =	sor.u32 @!p0 $0x4000, s6;
	s5 =	simm.s32 @!p0 $0x1B8D  }
0xb1: {  	s4 =	sshll.u32 @!p0 s4, $0x11;
	s6 =	sadd.s32 @!p0 $0x11B8D, s6;
	_ =	swait.eq @!p0 [sflag:s5], $0x1  }
0xb2: {  	s4 =	sor.u32 @!p0 s4, s6;
	[sflag:s5] =	ssyncadd.s32 @!p0 $0xFFFFFFFF  }
0xb3: {  	s25 =	simm.s32 $0x1B8E;
	s24 =	sld [smem:$0x3FFE];
	[sflag:s4] =	ssyncadd.remote.s32 @!p0 $0x1  }
0xb4: {  	s26 =	simm.s32 $execute0_lowered;
	[smem:$0x3FD2] =	sst s25  }
0xb5: {  	s5 =	sshll.u32 s26, $0x1;
	_ =	strace $0x8000004C;
	[dreg:$0x1] =	wrdreg $0xFFFFFFFF  }
0xb6: {  	s28 =	simm.s32 $_size_execute0_lowered;
	s3 =	sadd.s32 s3, s5;
	[dreg:$0x0] =	wrdreg $0x0  }
0xb7: {  	s5 =	sshll.u32 s28, $0x1;
	[dreg:$0x2] =	wrdreg s3  }
0xb8: {  	[dreg:$0x3] =	wrdreg s5  }
0xb9: {  	[dreg:$0x4] =	wrdreg $0xC0  }
0xba: {  	_ =	task [dreg:s22], $0x5FFFF  }
0xbb: {  	[dreg:$0x1] =	wrdreg $0xFFFFFFFF  }
0xbc: {  	[dreg:$0x0] =	wrdreg $0x60  }
0xbd: {  	[dreg:$0x2] =	wrdreg s24  }
0xbe: {  	[dreg:$0x3] =	wrdreg $0xA  }
0xbf: {  	_ =	task.clear_ibuf [dreg:s22], $0x4FFFF;
	_ =	strace $0x9000004C  }
0xc0: {  	s29 =	simm.s32 $0xA;
	_ =	strace $0x8000004E  }
0xc1: {  	_ =	swait.ge [sflag:s29], $0x1  }
0xc2: {  	[sflag:s29] =	ssyncadd.s32 $0xFFFFFFFF  }
0xc3: {  	_ =	strace $0x9000004E  }
0xc4: {  	_ =	sfence  }
0xc5: {  	s30 =	sld [smem:$0x0];
	_ =	sdelay $0x2  }
0xc6: {  	s31 =	sshll.u32 s1, $0xD;
	s1 =	sshrl.u32 s1, $0x2  }
0xc7: {  	s4 =	sand.u32 $0x4000, s31;
	s1 =	sadd.s32 s1, s30  }
0xc8: {  	s0 =	sor.u32 s4, s0;
	s1 =	sshll.u32 s1, $0x11  }
0xc9: {  	s0 =	sor.u32 s1, s0  }
0xca: {  	s0 =	sadd.s32 $0x8F2B, s0  }
0xcb: {  	[sflag:s0] =	ssyncadd.remote.s32 $0x1  }
0xcc: {  	_ =	sfence.sel $0xFFFF  }
0xcd: {  	[dreg:$0x0] =	wrdreg $0xFFFFFFFF;
	(pc) =	sbr.abs _section_cstart, $3  }
0xce: {  	[dreg:$0x1] =	wrdreg $0xFFFFFFFF  }
0xcf: {  	_ =	task.clear_ibuf [dreg:s22], $0x2FFFF;
	_ =	strace $0x9FFFFFFF  }
0xd0: {  	(tm) =	ssettm $0x7FFFFFFF  }
0xd1: {  	_ =	shalt  }
tec
execute0_lowered:
.L_overlay_start_1:
0x0: {  	(tag) =	ssettag $0x1  }
0x1: {  	s4 =	rddreg [dreg:$0x0]  }
0x2: {  	s0 =	rddreg [dreg:$0x1];
	s2 =	simm.s32 $0x0;
	s3 =	srdreg.scid  }
0x3: {  	s1 =	stileid.u32;
	s10 =	simm.s32 $0x1080;
	s11 =	simm.s32 $0x1880  }
0x4: {  	s12 =	simm.s32 $0x2080;
	s13 =	simm.s32 $0x2880;
	s14 =	simm.s32 $0x3080  }
0x5: {  	s15 =	simm.s32 $0x3880;
	s16 =	simm.s32 $0x4080;
	s17 =	simm.s32 $0x4880  }
0x6: {  	s18 =	simm.s32 $0x5080;
	s19 =	simm.s32 $0x5880;
	s20 =	simm.s32 $0x6080  }
0x7: {  	s21 =	simm.s32 $0x6880;
	s22 =	simm.s32 $0x7080;
	s23 =	simm.s32 $0x7880  }
0x8: {  	s24 =	simm.s32 $0x1;
	s25 =	simm.s32 $0x0;
	[smem:$0x7FF] =	sst s2  }
0x9: {  	s5 =	sand.u32 $0x1, s3;
	s6 =	sshll.u32 s1, $0xB;
	s3 =	sadd.s32 $0x249C00, s4  }
0xa: {  	s8 =	sshll.u32 s1, $0x10;
	_ =	strace $0x8000004D;
	s7 =	sshll.u32 s5, $0xA  }
0xb: {  	s31 =	ssub.s32 $0x2, s5;
	s8 =	sadd.s32 s8, s4;
	s5 =	sshll.u32 s5, $0xF  }
0xc: {  	s6 =	sor.u32 s7, s6;
	s9 =	sshrl.u32 s31, $0x1;
	s5 =	sadd.s32 s5, s8  }
0xd: {  	v2 =	vlaneseq.u32;
	s8 =	simm.s32 $0x80;
	s6 =	sshrl.u32 s6, $0x3;
	s7 =	ssub.s32 s31, s9  }
0xe: {  	vm0 =	vmmov $0xffff;
	v1 =	vshrl.u32 v2, $0x3;
	s5 =	sadd.s32 $0x269C00, s5;
	s9 =	simm.s32 $0x880;
	s6 =	sadd.s32 s6, s4  }
0xf: {  	v0 =	vand.u32 $0x7, v2;
	v2 =	vor.u32 $0x8, v2;
	v1 =	vmul.u32 $0x8, v1;
	s4 =	smax.u32 s7, $0x1;
	s7 =	simm.s32 $0x2;
	s6 =	sadd.s32 $0x248C00, s6  }
.LBB2_1:
0x10: {  	s26 =	smov.u32 s5;
	s28 =	simm.s32 $0x0  }
.LBB2_2:
0x11: {  	s29 =	sadd.s32 s28, s6  }
0x12: {  	[tilespmem:s2], [sflag:$0x2] =	stream.linear.gather [hbm4b:s29+s2], $0x80, $0x38;
	[tilespmem:$0x8080] =	vst v63  }
0x13: {  	_ =	swait.ge [sflag:s7], $0x80  }
0x14: {  	[sflag:s7] =	ssyncset.done $0x0  }
0x15: {  	[sflag:s7] =	ssyncadd.s32 $0xFFFFFF80  }
0x16: {  	v3 =	vld [tilespmem:$0x0];
	_ =	sdelay $0x4  }
0x17: {  	v4 =	vshll.u32 v3, $0x1  }
0x18: {  	v3 =	vand.u32 $0x7, v3;
	v4 =	vand.u32 $0xFFFFFFF0, v4  }
0x19: {  	v3 =	vor.u32 v3, v4  }
0x1a: {  	v4 =	vperm.xlane v3, v0;
	_ =	sdelay $0x1  }
0x1b: {  	v3 =	vperm.xlane v3, v2;
	v4 =	vadd.s32 v1, v4;
	_ =	sdelay $0x1  }
0x1c: {  	v3 =	vadd.s32 v1, v3;
	_ =	sdelay $0x2  }
0x1d: {  	[tilespmem:s8], [sflag:$0x1] =	stream.indirect_vreg.gather [hbm4b:s3+s2], $0x80, v4, vm0, $0xb8;
	[tilespmem:$0x8080] =	vst v63  }
0x1e: {  	_ = 	snop  }
0x1f: {  	[tilespmem:s9], [sflag:$0x1] =	stream.indirect_vreg.gather [hbm4b:s3+s2], $0x80, v3, vm0, $0xb8;
	[tilespmem:$0x8080] =	vst v63  }
0x20: {  	v3 =	vld [tilespmem:$0x10];
	_ =	sdelay $0x4  }
0x21: {  	v57 =	vshll.u32 v3, $0x1  }
0x22: {  	v3 =	vand.u32 $0x7, v3;
	v4 =	vand.u32 $0xFFFFFFF0, v57  }
0x23: {  	v3 =	vor.u32 v3, v4  }
0x24: {  	v4 =	vperm.xlane v3, v0;
	_ =	sdelay $0x1  }
0x25: {  	v3 =	vperm.xlane v3, v2;
	v4 =	vadd.s32 v1, v4;
	_ =	sdelay $0x1  }
0x26: {  	v3 =	vadd.s32 v1, v3;
	_ =	sdelay $0x2  }
0x27: {  	[tilespmem:s10], [sflag:$0x1] =	stream.indirect_vreg.gather [hbm4b:s3+s2], $0x80, v4, vm0, $0xb8;
	[tilespmem:$0x8080] =	vst v63  }
0x28: {  	_ = 	snop  }
0x29: {  	[tilespmem:s11], [sflag:$0x1] =	stream.indirect_vreg.gather [hbm4b:s3+s2], $0x80, v3, vm0, $0xb8;
	[tilespmem:$0x8080] =	vst v63  }
0x2a: {  	v3 =	vld [tilespmem:$0x20];
	_ =	sdelay $0x4  }
0x2b: {  	v58 =	vshll.u32 v3, $0x1  }
0x2c: {  	v3 =	vand.u32 $0x7, v3;
	v4 =	vand.u32 $0xFFFFFFF0, v58  }
0x2d: {  	v3 =	vor.u32 v3, v4  }
0x2e: {  	v4 =	vperm.xlane v3, v0;
	_ =	sdelay $0x1  }
0x2f: {  	v3 =	vperm.xlane v3, v2;
	v4 =	vadd.s32 v1, v4;
	_ =	sdelay $0x1  }
0x30: {  	v3 =	vadd.s32 v1, v3;
	_ =	sdelay $0x2  }
0x31: {  	[tilespmem:s12], [sflag:$0x1] =	stream.indirect_vreg.gather [hbm4b:s3+s2], $0x80, v4, vm0, $0xb8;
	[tilespmem:$0x8080] =	vst v63  }
0x32: {  	_ = 	snop  }
0x33: {  	[tilespmem:s13], [sflag:$0x1] =	stream.indirect_vreg.gather [hbm4b:s3+s2], $0x80, v3, vm0, $0xb8;
	[tilespmem:$0x8080] =	vst v63  }
0x34: {  	v3 =	vld [tilespmem:$0x30];
	_ =	sdelay $0x4  }
0x35: {  	v59 =	vshll.u32 v3, $0x1  }
0x36: {  	v3 =	vand.u32 $0x7, v3;
	v4 =	vand.u32 $0xFFFFFFF0, v59  }
0x37: {  	v3 =	vor.u32 v3, v4  }
0x38: {  	v4 =	vperm.xlane v3, v0;
	_ =	sdelay $0x1  }
0x39: {  	v3 =	vperm.xlane v3, v2;
	v4 =	vadd.s32 v1, v4;
	_ =	sdelay $0x1  }
0x3a: {  	v3 =	vadd.s32 v1, v3;
	_ =	sdelay $0x2  }
0x3b: {  	[tilespmem:s14], [sflag:$0x1] =	stream.indirect_vreg.gather [hbm4b:s3+s2], $0x80, v4, vm0, $0xb8;
	[tilespmem:$0x8080] =	vst v63  }
0x3c: {  	_ = 	snop  }
0x3d: {  	[tilespmem:s15], [sflag:$0x1] =	stream.indirect_vreg.gather [hbm4b:s3+s2], $0x80, v3, vm0, $0xb8;
	[tilespmem:$0x8080] =	vst v63  }
0x3e: {  	v3 =	vld [tilespmem:$0x40];
	_ =	sdelay $0x4  }
0x3f: {  	v60 =	vshll.u32 v3, $0x1  }
0x40: {  	v3 =	vand.u32 $0x7, v3;
	v4 =	vand.u32 $0xFFFFFFF0, v60  }
0x41: {  	v3 =	vor.u32 v3, v4  }
0x42: {  	v4 =	vperm.xlane v3, v0;
	_ =	sdelay $0x1  }
0x43: {  	v3 =	vperm.xlane v3, v2;
	v4 =	vadd.s32 v1, v4;
	_ =	sdelay $0x1  }
0x44: {  	v3 =	vadd.s32 v1, v3;
	_ =	sdelay $0x2  }
0x45: {  	[tilespmem:s16], [sflag:$0x1] =	stream.indirect_vreg.gather [hbm4b:s3+s2], $0x80, v4, vm0, $0xb8;
	[tilespmem:$0x8080] =	vst v63  }
0x46: {  	_ = 	snop  }
0x47: {  	[tilespmem:s17], [sflag:$0x1] =	stream.indirect_vreg.gather [hbm4b:s3+s2], $0x80, v3, vm0, $0xb8;
	[tilespmem:$0x8080] =	vst v63  }
0x48: {  	v3 =	vld [tilespmem:$0x50];
	_ =	sdelay $0x4  }
0x49: {  	v61 =	vshll.u32 v3, $0x1  }
0x4a: {  	v3 =	vand.u32 $0x7, v3;
	v4 =	vand.u32 $0xFFFFFFF0, v61  }
0x4b: {  	v3 =	vor.u32 v3, v4  }
0x4c: {  	v4 =	vperm.xlane v3, v0;
	_ =	sdelay $0x1  }
0x4d: {  	v3 =	vperm.xlane v3, v2;
	v4 =	vadd.s32 v1, v4;
	_ =	sdelay $0x1  }
0x4e: {  	v3 =	vadd.s32 v1, v3;
	_ =	sdelay $0x2  }
0x4f: {  	[tilespmem:s18], [sflag:$0x1] =	stream.indirect_vreg.gather [hbm4b:s3+s2], $0x80, v4, vm0, $0xb8;
	[tilespmem:$0x8080] =	vst v63  }
0x50: {  	_ = 	snop  }
0x51: {  	[tilespmem:s19], [sflag:$0x1] =	stream.indirect_vreg.gather [hbm4b:s3+s2], $0x80, v3, vm0, $0xb8;
	[tilespmem:$0x8080] =	vst v63  }
0x52: {  	v3 =	vld [tilespmem:$0x60];
	_ =	sdelay $0x4  }
0x53: {  	v62 =	vshll.u32 v3, $0x1  }
0x54: {  	v3 =	vand.u32 $0x7, v3;
	v4 =	vand.u32 $0xFFFFFFF0, v62  }
0x55: {  	v3 =	vor.u32 v3, v4  }
0x56: {  	v4 =	vperm.xlane v3, v0;
	_ =	sdelay $0x1  }
0x57: {  	v3 =	vperm.xlane v3, v2;
	v4 =	vadd.s32 v1, v4;
	_ =	sdelay $0x1  }
0x58: {  	v3 =	vadd.s32 v1, v3;
	_ =	sdelay $0x2  }
0x59: {  	[tilespmem:s20], [sflag:$0x1] =	stream.indirect_vreg.gather [hbm4b:s3+s2], $0x80, v4, vm0, $0xb8;
	[tilespmem:$0x8080] =	vst v63  }
0x5a: {  	_ = 	snop  }
0x5b: {  	[tilespmem:s21], [sflag:$0x1] =	stream.indirect_vreg.gather [hbm4b:s3+s2], $0x80, v3, vm0, $0xb8;
	[tilespmem:$0x8080] =	vst v63  }
0x5c: {  	v3 =	vld [tilespmem:$0x70];
	_ =	sdelay $0x4  }
0x5d: {  	v63 =	vshll.u32 v3, $0x1  }
0x5e: {  	v3 =	vand.u32 $0x7, v3;
	v4 =	vand.u32 $0xFFFFFFF0, v63  }
0x5f: {  	v3 =	vor.u32 v3, v4  }
0x60: {  	v4 =	vperm.xlane v3, v0;
	_ =	sdelay $0x1  }
0x61: {  	v3 =	vperm.xlane v3, v2;
	v4 =	vadd.s32 v1, v4;
	_ =	sdelay $0x1  }
0x62: {  	v3 =	vadd.s32 v1, v3;
	_ =	sdelay $0x2  }
0x63: {  	[tilespmem:s22], [sflag:$0x1] =	stream.indirect_vreg.gather [hbm4b:s3+s2], $0x80, v4, vm0, $0xb8;
	[tilespmem:$0x8080] =	vst v63  }
0x64: {  	_ = 	snop  }
0x65: {  	[tilespmem:s23], [sflag:$0x1] =	stream.indirect_vreg.gather [hbm4b:s3+s2], $0x80, v3, vm0, $0xb8;
	[tilespmem:$0x8080] =	vst v63  }
0x66: {  	_ =	swait.ge [sflag:s24], $0x8000  }
0x67: {  	p0 =	sne.s32 s28, $0x70;
	[sflag:s24] =	ssyncset.done $0x0  }
.Ltmp0:
0x68: {  	[sflag:s24] =	ssyncadd.s32 $0xFFFF8000;
	(pc) =	sbr.rel @p0 .LBB2_2-.Ltmp0, $4  }
0x69: {  	[hbm4b:s26+s2] =	stream.linear.scatter [tilespmem:s8], [sflag:$0x2], $0x8000, $0x38;
	[tilespmem:$0x8080] =	vst v63  }
0x6a: {  	_ =	swait.ge [sflag:s7], $0x8000  }
0x6b: {  	[sflag:s7] =	ssyncset.done $0x0  }
0x6c: {  	s28 =	sadd.s32 $0x10, s28;
	s26 =	sadd.s32 $0x1000, s26;
	[sflag:s7] =	ssyncadd.s32 $0xFFFF8000  }
0x6d: {  	s25 =	sadd.s32 $0x1, s25  }
0x6e: {  	p0 =	sne.s32 s25, s4  }
.Ltmp1:
0x6f: {  	_ = 	snop;
	(pc) =	sbr.rel @p0 .LBB2_1-.Ltmp1, $1  }
0x70: {  	_ =	sdelay $0x3  }
0x71: {  	_ =	sfence.sel $0x180000  }
0x72: {  	[bflag:$0x0] =	sbarrier.arrive $0xFFFF  }
0x73: {  	p0 =	sne.s32 s1, $0x0;
	_ =	strace $0x9000004D  }
0x74: {  	s0 =	sadd.s32 @!p0 $0x100000, s0;
	[bflag:$0x2] =	sbarrier.arrive $0xFFFF  }
0x75: {  	[sflag:s0] =	ssyncadd.tile.s32 @!p0 $0x1;
	_ =	shalt  }
.Lfunc_end2:
_tile_overlayer_lowered:
.L_overlay_start_2:
0x76: {  	(tag) =	ssettag $0x2  }
0x77: {  	s0 =	rddreg [dreg:$0x0];
	s2 =	stileid.u32  }
0x78: {  	s1 =	rddreg [dreg:$0x1];
	p0 =	sne.s32 s2, $0x0  }
0x79: {  	s3 =	rddreg [dreg:$0x2];
	[bflag:$0x3] =	sbarrier.arrive $0xFFFF;
	s2 =	simm.s32 @!p0 $0x1C02  }
0x7a: {  	[timem:s3], [sflag:s2] =	dma.local @!p0 [hbm:s0], s1  }
0x7b: {  	s0 =	simm.s32 @!p0 $0x2  }
0x7c: {  	_ =	swait.ge @!p0 [sflag:s0], s1  }
0x7d: {  	s1 =	ssub.s32 @!p0 $0x0, s1;
	[sflag:s0] =	ssyncset.done @!p0 $0x0  }
0x7e: {  	[sflag:s0] =	ssyncadd.s32 @!p0 s1  }
0x7f: {  	[bflag:$0x3] =	sbarrier.arrive $0xFFFF  }
0x80: {  	_ =	shalt  }

// kernel: kernel.24.cloned.1.call-start
scs
__scs_entry_jumppad:
0x0: {  	(pc) =	sbr.rel $0x88, $3  }
0x1: {  	(tag) =	ssettag $0x0;
	lr =	simm.s32 $0x1  }
0x2: {  	[smem:$0x3F9A] =	sst lr;
	_ =	strace $0xD0000000  }
0x3: {  	_ = 	snop  }
0x4: {  	_ = 	snop  }
0x5: {  	_ = 	snop  }
0x6: {  	_ = 	snop  }
0x7: {  	_ = 	snop  }
__scs_overlays_trampoline_lowered:
0x8: {  	[smem:$0x3FA9] =	sst s0  }
0x9: {  	[smem:$0x3FAA] =	sst s1  }
0xa: {  	[smem:$0x3FAB] =	sst s2  }
0xb: {  	[smem:$0x3FAC] =	sst s3  }
0xc: {  	[smem:$0x3FAD] =	sst s4  }
0xd: {  	[smem:$0x3FAE] =	sst s5  }
0xe: {  	[smem:$0x3FAF] =	sst s6  }
0xf: {  	[smem:$0x3FB0] =	sst s7  }
0x10: {  	[smem:$0x3FB1] =	sst s8  }
0x11: {  	[smem:$0x3FB2] =	sst s9;
	s0 =	simm.s32 @!p0 $0x0  }
0x12: {  	s1 =	sld [smem:$0x3F98];
	s0 =	simm.s32 @p0 $0x1  }
0x13: {  	[smem:$0x3FB3] =	sst s0;
	s0 =	simm.s32 @!p1 $0x0  }
0x14: {  	s2 =	sld [smem:$0x3F97];
	s0 =	simm.s32 @p1 $0x1  }
0x15: {  	[smem:$0x3FB4] =	sst s0;
	s0 =	simm.s32 @!p2 $0x0  }
0x16: {  	s3 =	sld [smem:$0x3FDB];
	s0 =	simm.s32 @p2 $0x1  }
0x17: {  	s4 =	simm.s32 $0x1BF5;
	[smem:$0x3FB6] =	sst s0  }
0x18: {  	s0 =	sld [smem:$0x3F99];
	_ =	swait.ge [sflag:s4], $0x0  }
0x19: {  	s7 =	sld [smem:$0x3F9A]  }
0x1a: {  	s8 =	sadd.s32 $0xFFFFE003, lr  }
0x1b: {  	s9 =	sadd.s32 $0xFFFFFEF7, lr;
	s5 =	simm.s32 $0xFFFFFFFF;
	p2 =	slt.u32 s8, $0xFFFFF086  }
0x1c: {  	p1 =	slt.u32 s9, $0xF7A;
	s5 =	simm.s32 @!p2 $0x0  }
0x1d: {  	s5 =	simm.s32 @p1 $0x1;
	p0 =	seq.s32 s7, s2  }
0x1e: {  	s7 =	smul.u32 @!p0 $0xF7A, s2;
	p2 =	seq.s32 @!p0 s5, $0x0  }
0x1f: {  	s9 =	smul.u32 $0xF7A, s1;
	s8 =	simm.s32 @!p0 $0x1BF5;
	p2 =	por !p2, p0  }
0x20: {  	[sflag:s8] =	ssyncset.s32 @!p0 $0xFFFFF086;
	s6 =	sadd.s32 @!p0 s3, s7;
	s7 =	simm.s32 @!p0 $0x108  }
0x21: {  	s3 =	sadd.s32 s3, s9;
	s6 =	sadd.s32 @!p0 $0x88, s6;
	s7 =	simm.s32 @p2 $0x1082  }
0x22: {  	[simem:s7], [sflag:s8] =	dma.local @!p0 [hbm:s6], $0xF7A  }
0x23: {  	s9 =	sor.u32 $0xD0000000, s2;
	s6 =	simm.s32 $0x108;
	_ =	swait.ge @!p0 [sflag:s8], $0x0  }
0x24: {  	s3 =	sadd.s32 $0x88, s3;
	s6 =	simm.s32 @!p1 $0x1082;
	[sflag:s4] =	ssyncset.s32 $0xFFFFF086  }
0x25: {  	[simem:s6], [sflag:s4] =	dma.local [hbm:s3], $0xF7A  }
0x26: {  	[smem:$0x3F9A] =	sst s1;
	(tag) =	ssettag s2;
	_ =	strace s9  }
0x27: {  	s1 =	sld [smem:$0x3FAA]  }
0x28: {  	s2 =	sld [smem:$0x3FAB]  }
0x29: {  	s4 =	sld [smem:$0x3FAD]  }
0x2a: {  	p0 =	seq.s32 s5, $0x0;
	s5 =	sld [smem:$0x3FAE]  }
0x2b: {  	s6 =	sld [smem:$0x3FAF]  }
0x2c: {  	s7 =	sld [smem:$0x3FB0]  }
0x2d: {  	s3 =	simm.s32 $0x108;
	s8 =	sld [smem:$0x3FB1]  }
0x2e: {  	s3 =	simm.s32 @!p0 $0x1082;
	s9 =	sld [smem:$0x3FB2]  }
0x2f: {  	lr =	sadd.s32 s0, s3;
	s0 =	sld [smem:$0x3FA9]  }
0x30: {  	s3 =	sld [smem:$0x3FAC]  }
0x31: {  	[smem:$0x3FB5] =	sst s10  }
0x32: {  	s10 =	sld [smem:$0x3FB3];
	_ =	sdelay $0x3  }
0x33: {  	p0 =	seq.s32 s10, $0x1;
	s10 =	sld [smem:$0x3FB5];
	_ =	sdelay $0x3  }
0x34: {  	[smem:$0x3FB5] =	sst s10  }
0x35: {  	s10 =	sld [smem:$0x3FB4];
	_ =	sdelay $0x3  }
0x36: {  	p1 =	seq.s32 s10, $0x1;
	s10 =	sld [smem:$0x3FB5];
	_ =	sdelay $0x3  }
0x37: {  	[smem:$0x3FB5] =	sst s10  }
0x38: {  	s10 =	sld [smem:$0x3FB6]  }
0x39: {  	_ = 	snop;
	(pc) =	sbr.ind lr, $3  }
0x3a: {  	_ = 	snop  }
0x3b: {  	_ = 	snop  }
0x3c: {  	p2 =	seq.s32 s10, $0x1;
	s10 =	sld [smem:$0x3FB5]  }
0x3d: {  	_ =	shalt  }
0x3e: {  	_ =	shalt  }
0x3f: {  	_ =	shalt  }
0x40: {  	_ =	shalt  }
0x41: {  	_ =	shalt  }
0x42: {  	_ =	shalt  }
0x43: {  	_ =	shalt  }
0x44: {  	_ =	shalt  }
0x45: {  	_ =	shalt  }
0x46: {  	_ =	shalt  }
0x47: {  	_ =	shalt  }
0x48: {  	_ =	shalt  }
0x49: {  	_ =	shalt  }
0x4a: {  	_ =	shalt  }
0x4b: {  	_ =	shalt  }
0x4c: {  	_ =	shalt  }
0x4d: {  	_ =	shalt  }
0x4e: {  	_ =	shalt  }
0x4f: {  	_ =	shalt  }
0x50: {  	_ =	shalt  }
0x51: {  	_ =	shalt  }
0x52: {  	_ =	shalt  }
0x53: {  	_ =	shalt  }
0x54: {  	_ =	shalt  }
0x55: {  	_ =	shalt  }
0x56: {  	_ =	shalt  }
0x57: {  	_ =	shalt  }
0x58: {  	_ =	shalt  }
0x59: {  	_ =	shalt  }
0x5a: {  	_ =	shalt  }
0x5b: {  	_ =	shalt  }
0x5c: {  	_ =	shalt  }
0x5d: {  	_ =	shalt  }
0x5e: {  	_ =	shalt  }
0x5f: {  	_ =	shalt  }
0x60: {  	_ =	shalt  }
0x61: {  	_ =	shalt  }
0x62: {  	_ =	shalt  }
0x63: {  	_ =	shalt  }
0x64: {  	_ =	shalt  }
0x65: {  	_ =	shalt  }
0x66: {  	_ =	shalt  }
0x67: {  	_ =	shalt  }
0x68: {  	_ =	shalt  }
0x69: {  	_ =	shalt  }
0x6a: {  	_ =	shalt  }
0x6b: {  	_ =	shalt  }
0x6c: {  	_ =	shalt  }
0x6d: {  	_ =	shalt  }
0x6e: {  	_ =	shalt  }
0x6f: {  	_ =	shalt  }
0x70: {  	_ =	shalt  }
0x71: {  	_ =	shalt  }
0x72: {  	_ =	shalt  }
0x73: {  	_ =	shalt  }
0x74: {  	_ =	shalt  }
0x75: {  	_ =	shalt  }
0x76: {  	_ =	shalt  }
0x77: {  	_ =	shalt  }
0x78: {  	_ =	shalt  }
0x79: {  	_ =	shalt  }
0x7a: {  	_ =	shalt  }
0x7b: {  	_ =	shalt  }
0x7c: {  	_ =	shalt  }
0x7d: {  	_ =	shalt  }
0x7e: {  	_ =	shalt  }
0x7f: {  	_ =	shalt  }
0x80: {  	_ =	shalt  }
0x81: {  	_ =	shalt  }
0x82: {  	_ =	shalt  }
0x83: {  	_ =	shalt  }
0x84: {  	_ =	shalt  }
0x85: {  	_ =	shalt  }
0x86: {  	_ =	shalt  }
0x87: {  	_ =	shalt  }
.Lfunc_end0:
.L_simem_size_0:
called_computation.2_lowered:
.L_overlay_start_0:
0x88: {  	s2 =	sld [smem:$0x3FD9]  }
0x89: {  	s3 =	sld [smem:$0x3FFE];
	_ =	sdelay $0x1  }
0x8a: {  	s1 =	srdreg.scid  }
0x8b: {  	s0 =	sand.u32 $0x1, s1  }
0x8c: {  	s16 =	sshll.u32 s0, $0xA;
	s2 =	sadd.s32 s3, s2  }
0x8d: {  	s2 =	sadd.s32 s2, s16  }
0x8e: {  	[smem:$0x3FC1] =	sst s2  }
0x8f: {  	_ = 	snop  }
0x90: {  	(tm) =	ssettm $0x1  }
0x91: {  	s17 =	sld [smem:$0x3FFB];
	_ =	sdelay $0x3  }
0x92: {  	_ =	strace s17  }
0x93: {  	s2 =	sld [smem:$0x3FFC];
	_ =	sdelay $0x3  }
0x94: {  	_ =	strace s2  }
0x95: {  	s2 =	sld [smem:$0x3FFD];
	_ =	sdelay $0x3  }
0x96: {  	_ =	strace s2  }
0x97: {  	_ =	strace $0x8FFFFFFF  }
0x98: {  	s18 =	sld [smem:$0x3FDB];
	_ =	sdelay $0x1  }
0x99: {  	s19 =	simm.s32 $_scs_section_size  }
0x9a: {  	s4 =	simm.s32 $_size__tile_overlayer_lowered;
	s5 =	simm.s32 $_tile_overlayer_lowered  }
0x9b: {  	s22 =	simm.s32 $0x1BFF;
	s21 =	sshll.u32 s5, $0x1;
	s2 =	sadd.s32 s19, s18  }
0x9c: {  	s6 =	simm.s32 $0x0;
	s20 =	sshll.u32 s4, $0x1;
	s4 =	sadd.s32 s21, s2  }
0x9d: {  	[timem:s6], [sflag:s22] =	dma.local [hbm:s4], s20  }
0x9e: {  	_ =	swait.ge [sflag:s22], s20  }
0x9f: {  	s3 =	ssub.s32 $0x0, s20;
	[sflag:s22] =	ssyncset.done $0x0  }
0xa0: {  	[sflag:s22] =	ssyncadd.s32 s3;
	_ =	sdelay $0x1  }
0xa1: {  	s23 =	simm.s32 $0x1B8B  }
0xa2: {  	_ =	swait.ge [sflag:s23], $0x1  }
0xa3: {  	[sflag:s23] =	ssyncset.done $0x0  }
0xa4: {  	s25 =	simm.s32 $0x1B8E;
	s24 =	sld [smem:$0x3FFE];
	[sflag:s23] =	ssyncadd.s32 $0xFFFFFFFF  }
0xa5: {  	s26 =	simm.s32 $execute0_lowered;
	[smem:$0x3FD2] =	sst s25  }
0xa6: {  	s4 =	sshll.u32 s26, $0x1;
	_ =	strace $0x80000046;
	[dreg:$0x1] =	wrdreg $0xFFFFFFFF  }
0xa7: {  	s28 =	simm.s32 $_size_execute0_lowered;
	s2 =	sadd.s32 s2, s4;
	[dreg:$0x0] =	wrdreg $0x0  }
0xa8: {  	s4 =	sshll.u32 s28, $0x1;
	[dreg:$0x2] =	wrdreg s2  }
0xa9: {  	[dreg:$0x3] =	wrdreg s4  }
0xaa: {  	[dreg:$0x4] =	wrdreg $0xC0  }
0xab: {  	_ =	task [dreg:s6], $0x5FFFF  }
0xac: {  	[dreg:$0x1] =	wrdreg $0xFFFFFFFF  }
0xad: {  	[dreg:$0x0] =	wrdreg $0x60  }
0xae: {  	[dreg:$0x2] =	wrdreg s24  }
0xaf: {  	[dreg:$0x3] =	wrdreg $0xB  }
0xb0: {  	_ =	task.clear_ibuf [dreg:s6], $0x4FFFF;
	_ =	strace $0x90000046  }
0xb1: {  	s29 =	simm.s32 $0xB;
	_ =	strace $0x80000048  }
0xb2: {  	_ =	swait.ge [sflag:s29], $0x1  }
0xb3: {  	[sflag:s29] =	ssyncadd.s32 $0xFFFFFFFF  }
0xb4: {  	_ =	strace $0x90000048  }
0xb5: {  	_ =	sfence  }
0xb6: {  	s30 =	sld [smem:$0x0];
	_ =	sdelay $0x2  }
0xb7: {  	s31 =	sshll.u32 s1, $0xD;
	s1 =	sshrl.u32 s1, $0x2  }
0xb8: {  	s3 =	sand.u32 $0x4000, s31;
	s1 =	sadd.s32 s1, s30  }
0xb9: {  	s0 =	sor.u32 s3, s0;
	s1 =	sshll.u32 s1, $0x11  }
0xba: {  	s0 =	sor.u32 s1, s0  }
0xbb: {  	s0 =	sadd.s32 $0x8F2B, s0  }
0xbc: {  	[sflag:s0] =	ssyncadd.remote.s32 $0x1  }
0xbd: {  	_ =	sfence.sel $0xFFFF  }
0xbe: {  	[dreg:$0x0] =	wrdreg $0xFFFFFFFF;
	(pc) =	sbr.abs _section_cstart, $3  }
0xbf: {  	[dreg:$0x1] =	wrdreg $0xFFFFFFFF  }
0xc0: {  	_ =	task.clear_ibuf [dreg:s6], $0x2FFFF;
	_ =	strace $0x9FFFFFFF  }
0xc1: {  	(tm) =	ssettm $0x7FFFFFFF  }
tec
execute0_lowered:
.L_overlay_start_1:
0x0: {  	(tag) =	ssettag $0x1  }
0x1: {  	s4 =	rddreg [dreg:$0x0]  }
0x2: {  	s0 =	rddreg [dreg:$0x1];
	s2 =	simm.s32 $0x0;
	s3 =	srdreg.scid  }
0x3: {  	s1 =	stileid.u32;
	s10 =	simm.s32 $0x1080;
	s11 =	simm.s32 $0x1880  }
0x4: {  	s12 =	simm.s32 $0x2080;
	s13 =	simm.s32 $0x2880;
	s14 =	simm.s32 $0x3080  }
0x5: {  	s15 =	simm.s32 $0x3880;
	s16 =	simm.s32 $0x4080;
	s17 =	simm.s32 $0x4880  }
0x6: {  	s18 =	simm.s32 $0x5080;
	s19 =	simm.s32 $0x5880;
	s20 =	simm.s32 $0x6080  }
0x7: {  	s21 =	simm.s32 $0x6880;
	s22 =	simm.s32 $0x7080;
	s23 =	simm.s32 $0x7880  }
0x8: {  	s24 =	simm.s32 $0x1;
	s25 =	simm.s32 $0x0;
	[smem:$0x7FF] =	sst s2  }
0x9: {  	s5 =	sand.u32 $0x1, s3;
	s6 =	sshll.u32 s1, $0xB;
	s3 =	sadd.s32 $0x7C00, s4  }
0xa: {  	s8 =	sshll.u32 s1, $0x10;
	_ =	strace $0x80000047;
	s7 =	sshll.u32 s5, $0xA  }
0xb: {  	s31 =	ssub.s32 $0x2, s5;
	s8 =	sadd.s32 s8, s4;
	s5 =	sshll.u32 s5, $0xF  }
0xc: {  	s6 =	sor.u32 s7, s6;
	s9 =	sshrl.u32 s31, $0x1;
	s5 =	sadd.s32 s5, s8  }
0xd: {  	v2 =	vlaneseq.u32;
	s8 =	simm.s32 $0x80;
	s6 =	sshrl.u32 s6, $0x3;
	s7 =	ssub.s32 s31, s9  }
0xe: {  	vm0 =	vmmov $0xffff;
	v1 =	vshrl.u32 v2, $0x3;
	s5 =	sadd.s32 $0x27C00, s5;
	s9 =	simm.s32 $0x880;
	s6 =	sadd.s32 s6, s4  }
0xf: {  	v0 =	vand.u32 $0x7, v2;
	v2 =	vor.u32 $0x8, v2;
	v1 =	vmul.u32 $0x8, v1;
	s4 =	smax.u32 s7, $0x1;
	s7 =	simm.s32 $0x2;
	s6 =	sadd.s32 $0x6C00, s6  }
.LBB2_1:
0x10: {  	s26 =	smov.u32 s5;
	s28 =	simm.s32 $0x0  }
.LBB2_2:
0x11: {  	s29 =	sadd.s32 s28, s6  }
0x12: {  	[tilespmem:s2], [sflag:$0x2] =	stream.linear.gather [hbm4b:s29+s2], $0x80, $0x38;
	[tilespmem:$0x8080] =	vst v63  }
0x13: {  	_ =	swait.ge [sflag:s7], $0x80  }
0x14: {  	[sflag:s7] =	ssyncset.done $0x0  }
0x15: {  	[sflag:s7] =	ssyncadd.s32 $0xFFFFFF80  }
0x16: {  	v3 =	vld [tilespmem:$0x0];
	_ =	sdelay $0x4  }
0x17: {  	v4 =	vshll.u32 v3, $0x1  }
0x18: {  	v3 =	vand.u32 $0x7, v3;
	v4 =	vand.u32 $0xFFFFFFF0, v4  }
0x19: {  	v3 =	vor.u32 v3, v4  }
0x1a: {  	v4 =	vperm.xlane v3, v0;
	_ =	sdelay $0x1  }
0x1b: {  	v3 =	vperm.xlane v3, v2;
	v4 =	vadd.s32 v1, v4;
	_ =	sdelay $0x1  }
0x1c: {  	v3 =	vadd.s32 v1, v3;
	_ =	sdelay $0x2  }
0x1d: {  	[tilespmem:s8], [sflag:$0x1] =	stream.indirect_vreg.gather [hbm4b:s3+s2], $0x80, v4, vm0, $0xb8;
	[tilespmem:$0x8080] =	vst v63  }
0x1e: {  	_ = 	snop  }
0x1f: {  	[tilespmem:s9], [sflag:$0x1] =	stream.indirect_vreg.gather [hbm4b:s3+s2], $0x80, v3, vm0, $0xb8;
	[tilespmem:$0x8080] =	vst v63  }
0x20: {  	v3 =	vld [tilespmem:$0x10];
	_ =	sdelay $0x4  }
0x21: {  	v57 =	vshll.u32 v3, $0x1  }
0x22: {  	v3 =	vand.u32 $0x7, v3;
	v4 =	vand.u32 $0xFFFFFFF0, v57  }
0x23: {  	v3 =	vor.u32 v3, v4  }
0x24: {  	v4 =	vperm.xlane v3, v0;
	_ =	sdelay $0x1  }
0x25: {  	v3 =	vperm.xlane v3, v2;
	v4 =	vadd.s32 v1, v4;
	_ =	sdelay $0x1  }
0x26: {  	v3 =	vadd.s32 v1, v3;
	_ =	sdelay $0x2  }
0x27: {  	[tilespmem:s10], [sflag:$0x1] =	stream.indirect_vreg.gather [hbm4b:s3+s2], $0x80, v4, vm0, $0xb8;
	[tilespmem:$0x8080] =	vst v63  }
0x28: {  	_ = 	snop  }
0x29: {  	[tilespmem:s11], [sflag:$0x1] =	stream.indirect_vreg.gather [hbm4b:s3+s2], $0x80, v3, vm0, $0xb8;
	[tilespmem:$0x8080] =	vst v63  }
0x2a: {  	v3 =	vld [tilespmem:$0x20];
	_ =	sdelay $0x4  }
0x2b: {  	v58 =	vshll.u32 v3, $0x1  }
0x2c: {  	v3 =	vand.u32 $0x7, v3;
	v4 =	vand.u32 $0xFFFFFFF0, v58  }
0x2d: {  	v3 =	vor.u32 v3, v4  }
0x2e: {  	v4 =	vperm.xlane v3, v0;
	_ =	sdelay $0x1  }
0x2f: {  	v3 =	vperm.xlane v3, v2;
	v4 =	vadd.s32 v1, v4;
	_ =	sdelay $0x1  }
0x30: {  	v3 =	vadd.s32 v1, v3;
	_ =	sdelay $0x2  }
0x31: {  	[tilespmem:s12], [sflag:$0x1] =	stream.indirect_vreg.gather [hbm4b:s3+s2], $0x80, v4, vm0, $0xb8;
	[tilespmem:$0x8080] =	vst v63  }
0x32: {  	_ = 	snop  }
0x33: {  	[tilespmem:s13], [sflag:$0x1] =	stream.indirect_vreg.gather [hbm4b:s3+s2], $0x80, v3, vm0, $0xb8;
	[tilespmem:$0x8080] =	vst v63  }
0x34: {  	v3 =	vld [tilespmem:$0x30];
	_ =	sdelay $0x4  }
0x35: {  	v59 =	vshll.u32 v3, $0x1  }
0x36: {  	v3 =	vand.u32 $0x7, v3;
	v4 =	vand.u32 $0xFFFFFFF0, v59  }
0x37: {  	v3 =	vor.u32 v3, v4  }
0x38: {  	v4 =	vperm.xlane v3, v0;
	_ =	sdelay $0x1  }
0x39: {  	v3 =	vperm.xlane v3, v2;
	v4 =	vadd.s32 v1, v4;
	_ =	sdelay $0x1  }
0x3a: {  	v3 =	vadd.s32 v1, v3;
	_ =	sdelay $0x2  }
0x3b: {  	[tilespmem:s14], [sflag:$0x1] =	stream.indirect_vreg.gather [hbm4b:s3+s2], $0x80, v4, vm0, $0xb8;
	[tilespmem:$0x8080] =	vst v63  }
0x3c: {  	_ = 	snop  }
0x3d: {  	[tilespmem:s15], [sflag:$0x1] =	stream.indirect_vreg.gather [hbm4b:s3+s2], $0x80, v3, vm0, $0xb8;
	[tilespmem:$0x8080] =	vst v63  }
0x3e: {  	v3 =	vld [tilespmem:$0x40];
	_ =	sdelay $0x4  }
0x3f: {  	v60 =	vshll.u32 v3, $0x1  }
0x40: {  	v3 =	vand.u32 $0x7, v3;
	v4 =	vand.u32 $0xFFFFFFF0, v60  }
0x41: {  	v3 =	vor.u32 v3, v4  }
0x42: {  	v4 =	vperm.xlane v3, v0;
	_ =	sdelay $0x1  }
0x43: {  	v3 =	vperm.xlane v3, v2;
	v4 =	vadd.s32 v1, v4;
	_ =	sdelay $0x1  }
0x44: {  	v3 =	vadd.s32 v1, v3;
	_ =	sdelay $0x2  }
0x45: {  	[tilespmem:s16], [sflag:$0x1] =	stream.indirect_vreg.gather [hbm4b:s3+s2], $0x80, v4, vm0, $0xb8;
	[tilespmem:$0x8080] =	vst v63  }
0x46: {  	_ = 	snop  }
0x47: {  	[tilespmem:s17], [sflag:$0x1] =	stream.indirect_vreg.gather [hbm4b:s3+s2], $0x80, v3, vm0, $0xb8;
	[tilespmem:$0x8080] =	vst v63  }
0x48: {  	v3 =	vld [tilespmem:$0x50];
	_ =	sdelay $0x4  }
0x49: {  	v61 =	vshll.u32 v3, $0x1  }
0x4a: {  	v3 =	vand.u32 $0x7, v3;
	v4 =	vand.u32 $0xFFFFFFF0, v61  }
0x4b: {  	v3 =	vor.u32 v3, v4  }
0x4c: {  	v4 =	vperm.xlane v3, v0;
	_ =	sdelay $0x1  }
0x4d: {  	v3 =	vperm.xlane v3, v2;
	v4 =	vadd.s32 v1, v4;
	_ =	sdelay $0x1  }
0x4e: {  	v3 =	vadd.s32 v1, v3;
	_ =	sdelay $0x2  }
0x4f: {  	[tilespmem:s18], [sflag:$0x1] =	stream.indirect_vreg.gather [hbm4b:s3+s2], $0x80, v4, vm0, $0xb8;
	[tilespmem:$0x8080] =	vst v63  }
0x50: {  	_ = 	snop  }
0x51: {  	[tilespmem:s19], [sflag:$0x1] =	stream.indirect_vreg.gather [hbm4b:s3+s2], $0x80, v3, vm0, $0xb8;
	[tilespmem:$0x8080] =	vst v63  }
0x52: {  	v3 =	vld [tilespmem:$0x60];
	_ =	sdelay $0x4  }
0x53: {  	v62 =	vshll.u32 v3, $0x1  }
0x54: {  	v3 =	vand.u32 $0x7, v3;
	v4 =	vand.u32 $0xFFFFFFF0, v62  }
0x55: {  	v3 =	vor.u32 v3, v4  }
0x56: {  	v4 =	vperm.xlane v3, v0;
	_ =	sdelay $0x1  }
0x57: {  	v3 =	vperm.xlane v3, v2;
	v4 =	vadd.s32 v1, v4;
	_ =	sdelay $0x1  }
0x58: {  	v3 =	vadd.s32 v1, v3;
	_ =	sdelay $0x2  }
0x59: {  	[tilespmem:s20], [sflag:$0x1] =	stream.indirect_vreg.gather [hbm4b:s3+s2], $0x80, v4, vm0, $0xb8;
	[tilespmem:$0x8080] =	vst v63  }
0x5a: {  	_ = 	snop  }
0x5b: {  	[tilespmem:s21], [sflag:$0x1] =	stream.indirect_vreg.gather [hbm4b:s3+s2], $0x80, v3, vm0, $0xb8;
	[tilespmem:$0x8080] =	vst v63  }
0x5c: {  	v3 =	vld [tilespmem:$0x70];
	_ =	sdelay $0x4  }
0x5d: {  	v63 =	vshll.u32 v3, $0x1  }
0x5e: {  	v3 =	vand.u32 $0x7, v3;
	v4 =	vand.u32 $0xFFFFFFF0, v63  }
0x5f: {  	v3 =	vor.u32 v3, v4  }
0x60: {  	v4 =	vperm.xlane v3, v0;
	_ =	sdelay $0x1  }
0x61: {  	v3 =	vperm.xlane v3, v2;
	v4 =	vadd.s32 v1, v4;
	_ =	sdelay $0x1  }
0x62: {  	v3 =	vadd.s32 v1, v3;
	_ =	sdelay $0x2  }
0x63: {  	[tilespmem:s22], [sflag:$0x1] =	stream.indirect_vreg.gather [hbm4b:s3+s2], $0x80, v4, vm0, $0xb8;
	[tilespmem:$0x8080] =	vst v63  }
0x64: {  	_ = 	snop  }
0x65: {  	[tilespmem:s23], [sflag:$0x1] =	stream.indirect_vreg.gather [hbm4b:s3+s2], $0x80, v3, vm0, $0xb8;
	[tilespmem:$0x8080] =	vst v63  }
0x66: {  	_ =	swait.ge [sflag:s24], $0x8000  }
0x67: {  	p0 =	sne.s32 s28, $0x70;
	[sflag:s24] =	ssyncset.done $0x0  }
.Ltmp0:
0x68: {  	[sflag:s24] =	ssyncadd.s32 $0xFFFF8000;
	(pc) =	sbr.rel @p0 .LBB2_2-.Ltmp0, $4  }
0x69: {  	[hbm4b:s26+s2] =	stream.linear.scatter [tilespmem:s8], [sflag:$0x2], $0x8000, $0x38;
	[tilespmem:$0x8080] =	vst v63  }
0x6a: {  	_ =	swait.ge [sflag:s7], $0x8000  }
0x6b: {  	[sflag:s7] =	ssyncset.done $0x0  }
0x6c: {  	s28 =	sadd.s32 $0x10, s28;
	s26 =	sadd.s32 $0x1000, s26;
	[sflag:s7] =	ssyncadd.s32 $0xFFFF8000  }
0x6d: {  	s25 =	sadd.s32 $0x1, s25  }
0x6e: {  	p0 =	sne.s32 s25, s4  }
.Ltmp1:
0x6f: {  	_ = 	snop;
	(pc) =	sbr.rel @p0 .LBB2_1-.Ltmp1, $1  }
0x70: {  	_ =	sdelay $0x3  }
0x71: {  	_ =	sfence.sel $0x180000  }
0x72: {  	[bflag:$0x0] =	sbarrier.arrive $0xFFFF  }
0x73: {  	p0 =	sne.s32 s1, $0x0;
	_ =	strace $0x90000047  }
0x74: {  	s0 =	sadd.s32 @!p0 $0x100000, s0;
	[bflag:$0x2] =	sbarrier.arrive $0xFFFF  }
0x75: {  	[sflag:s0] =	ssyncadd.tile.s32 @!p0 $0x1;
	_ =	shalt  }
.Lfunc_end2:
_tile_overlayer_lowered:
.L_overlay_start_2:
0x76: {  	(tag) =	ssettag $0x2  }
0x77: {  	s0 =	rddreg [dreg:$0x0];
	s2 =	stileid.u32  }
0x78: {  	s1 =	rddreg [dreg:$0x1];
	p0 =	sne.s32 s2, $0x0  }
0x79: {  	s3 =	rddreg [dreg:$0x2];
	[bflag:$0x3] =	sbarrier.arrive $0xFFFF;
	s2 =	simm.s32 @!p0 $0x1C02  }
0x7a: {  	[timem:s3], [sflag:s2] =	dma.local @!p0 [hbm:s0], s1  }
0x7b: {  	s0 =	simm.s32 @!p0 $0x2  }
0x7c: {  	_ =	swait.ge @!p0 [sflag:s0], s1  }
0x7d: {  	s1 =	ssub.s32 @!p0 $0x0, s1;
	[sflag:s0] =	ssyncset.done @!p0 $0x0  }
0x7e: {  	[sflag:s0] =	ssyncadd.s32 @!p0 s1  }
0x7f: {  	[bflag:$0x3] =	sbarrier.arrive $0xFFFF  }
0x80: {  	_ =	shalt  }

// kernel: kernel.27.cloned.1.call-start
scs
__scs_entry_jumppad:
0x0: {  	(pc) =	sbr.rel $0x88, $3  }
0x1: {  	(tag) =	ssettag $0x0;
	lr =	simm.s32 $0x1  }
0x2: {  	[smem:$0x3F9A] =	sst lr;
	_ =	strace $0xD0000000  }
0x3: {  	_ = 	snop  }
0x4: {  	_ = 	snop  }
0x5: {  	_ = 	snop  }
0x6: {  	_ = 	snop  }
0x7: {  	_ = 	snop  }
__scs_overlays_trampoline_lowered:
0x8: {  	[smem:$0x3FA9] =	sst s0  }
0x9: {  	[smem:$0x3FAA] =	sst s1  }
0xa: {  	[smem:$0x3FAB] =	sst s2  }
0xb: {  	[smem:$0x3FAC] =	sst s3  }
0xc: {  	[smem:$0x3FAD] =	sst s4  }
0xd: {  	[smem:$0x3FAE] =	sst s5  }
0xe: {  	[smem:$0x3FAF] =	sst s6  }
0xf: {  	[smem:$0x3FB0] =	sst s7  }
0x10: {  	[smem:$0x3FB1] =	sst s8  }
0x11: {  	[smem:$0x3FB2] =	sst s9;
	s0 =	simm.s32 @!p0 $0x0  }
0x12: {  	s1 =	sld [smem:$0x3F98];
	s0 =	simm.s32 @p0 $0x1  }
0x13: {  	[smem:$0x3FB3] =	sst s0;
	s0 =	simm.s32 @!p1 $0x0  }
0x14: {  	s2 =	sld [smem:$0x3F97];
	s0 =	simm.s32 @p1 $0x1  }
0x15: {  	[smem:$0x3FB4] =	sst s0;
	s0 =	simm.s32 @!p2 $0x0  }
0x16: {  	s3 =	sld [smem:$0x3FDB];
	s0 =	simm.s32 @p2 $0x1  }
0x17: {  	s4 =	simm.s32 $0x1BF5;
	[smem:$0x3FB6] =	sst s0  }
0x18: {  	s0 =	sld [smem:$0x3F99];
	_ =	swait.ge [sflag:s4], $0x0  }
0x19: {  	s7 =	sld [smem:$0x3F9A]  }
0x1a: {  	s8 =	sadd.s32 $0xFFFFE003, lr  }
0x1b: {  	s9 =	sadd.s32 $0xFFFFFEF7, lr;
	s5 =	simm.s32 $0xFFFFFFFF;
	p2 =	slt.u32 s8, $0xFFFFF086  }
0x1c: {  	p1 =	slt.u32 s9, $0xF7A;
	s5 =	simm.s32 @!p2 $0x0  }
0x1d: {  	s5 =	simm.s32 @p1 $0x1;
	p0 =	seq.s32 s7, s2  }
0x1e: {  	s7 =	smul.u32 @!p0 $0xF7A, s2;
	p2 =	seq.s32 @!p0 s5, $0x0  }
0x1f: {  	s9 =	smul.u32 $0xF7A, s1;
	s8 =	simm.s32 @!p0 $0x1BF5;
	p2 =	por !p2, p0  }
0x20: {  	[sflag:s8] =	ssyncset.s32 @!p0 $0xFFFFF086;
	s6 =	sadd.s32 @!p0 s3, s7;
	s7 =	simm.s32 @!p0 $0x108  }
0x21: {  	s3 =	sadd.s32 s3, s9;
	s6 =	sadd.s32 @!p0 $0x88, s6;
	s7 =	simm.s32 @p2 $0x1082  }
0x22: {  	[simem:s7], [sflag:s8] =	dma.local @!p0 [hbm:s6], $0xF7A  }
0x23: {  	s9 =	sor.u32 $0xD0000000, s2;
	s6 =	simm.s32 $0x108;
	_ =	swait.ge @!p0 [sflag:s8], $0x0  }
0x24: {  	s3 =	sadd.s32 $0x88, s3;
	s6 =	simm.s32 @!p1 $0x1082;
	[sflag:s4] =	ssyncset.s32 $0xFFFFF086  }
0x25: {  	[simem:s6], [sflag:s4] =	dma.local [hbm:s3], $0xF7A  }
0x26: {  	[smem:$0x3F9A] =	sst s1;
	(tag) =	ssettag s2;
	_ =	strace s9  }
0x27: {  	s1 =	sld [smem:$0x3FAA]  }
0x28: {  	s2 =	sld [smem:$0x3FAB]  }
0x29: {  	s4 =	sld [smem:$0x3FAD]  }
0x2a: {  	p0 =	seq.s32 s5, $0x0;
	s5 =	sld [smem:$0x3FAE]  }
0x2b: {  	s6 =	sld [smem:$0x3FAF]  }
0x2c: {  	s7 =	sld [smem:$0x3FB0]  }
0x2d: {  	s3 =	simm.s32 $0x108;
	s8 =	sld [smem:$0x3FB1]  }
0x2e: {  	s3 =	simm.s32 @!p0 $0x1082;
	s9 =	sld [smem:$0x3FB2]  }
0x2f: {  	lr =	sadd.s32 s0, s3;
	s0 =	sld [smem:$0x3FA9]  }
0x30: {  	s3 =	sld [smem:$0x3FAC]  }
0x31: {  	[smem:$0x3FB5] =	sst s10  }
0x32: {  	s10 =	sld [smem:$0x3FB3];
	_ =	sdelay $0x3  }
0x33: {  	p0 =	seq.s32 s10, $0x1;
	s10 =	sld [smem:$0x3FB5];
	_ =	sdelay $0x3  }
0x34: {  	[smem:$0x3FB5] =	sst s10  }
0x35: {  	s10 =	sld [smem:$0x3FB4];
	_ =	sdelay $0x3  }
0x36: {  	p1 =	seq.s32 s10, $0x1;
	s10 =	sld [smem:$0x3FB5];
	_ =	sdelay $0x3  }
0x37: {  	[smem:$0x3FB5] =	sst s10  }
0x38: {  	s10 =	sld [smem:$0x3FB6]  }
0x39: {  	_ = 	snop;
	(pc) =	sbr.ind lr, $3  }
0x3a: {  	_ = 	snop  }
0x3b: {  	_ = 	snop  }
0x3c: {  	p2 =	seq.s32 s10, $0x1;
	s10 =	sld [smem:$0x3FB5]  }
0x3d: {  	_ =	shalt  }
0x3e: {  	_ =	shalt  }
0x3f: {  	_ =	shalt  }
0x40: {  	_ =	shalt  }
0x41: {  	_ =	shalt  }
0x42: {  	_ =	shalt  }
0x43: {  	_ =	shalt  }
0x44: {  	_ =	shalt  }
0x45: {  	_ =	shalt  }
0x46: {  	_ =	shalt  }
0x47: {  	_ =	shalt  }
0x48: {  	_ =	shalt  }
0x49: {  	_ =	shalt  }
0x4a: {  	_ =	shalt  }
0x4b: {  	_ =	shalt  }
0x4c: {  	_ =	shalt  }
0x4d: {  	_ =	shalt  }
0x4e: {  	_ =	shalt  }
0x4f: {  	_ =	shalt  }
0x50: {  	_ =	shalt  }
0x51: {  	_ =	shalt  }
0x52: {  	_ =	shalt  }
0x53: {  	_ =	shalt  }
0x54: {  	_ =	shalt  }
0x55: {  	_ =	shalt  }
0x56: {  	_ =	shalt  }
0x57: {  	_ =	shalt  }
0x58: {  	_ =	shalt  }
0x59: {  	_ =	shalt  }
0x5a: {  	_ =	shalt  }
0x5b: {  	_ =	shalt  }
0x5c: {  	_ =	shalt  }
0x5d: {  	_ =	shalt  }
0x5e: {  	_ =	shalt  }
0x5f: {  	_ =	shalt  }
0x60: {  	_ =	shalt  }
0x61: {  	_ =	shalt  }
0x62: {  	_ =	shalt  }
0x63: {  	_ =	shalt  }
0x64: {  	_ =	shalt  }
0x65: {  	_ =	shalt  }
0x66: {  	_ =	shalt  }
0x67: {  	_ =	shalt  }
0x68: {  	_ =	shalt  }
0x69: {  	_ =	shalt  }
0x6a: {  	_ =	shalt  }
0x6b: {  	_ =	shalt  }
0x6c: {  	_ =	shalt  }
0x6d: {  	_ =	shalt  }
0x6e: {  	_ =	shalt  }
0x6f: {  	_ =	shalt  }
0x70: {  	_ =	shalt  }
0x71: {  	_ =	shalt  }
0x72: {  	_ =	shalt  }
0x73: {  	_ =	shalt  }
0x74: {  	_ =	shalt  }
0x75: {  	_ =	shalt  }
0x76: {  	_ =	shalt  }
0x77: {  	_ =	shalt  }
0x78: {  	_ =	shalt  }
0x79: {  	_ =	shalt  }
0x7a: {  	_ =	shalt  }
0x7b: {  	_ =	shalt  }
0x7c: {  	_ =	shalt  }
0x7d: {  	_ =	shalt  }
0x7e: {  	_ =	shalt  }
0x7f: {  	_ =	shalt  }
0x80: {  	_ =	shalt  }
0x81: {  	_ =	shalt  }
0x82: {  	_ =	shalt  }
0x83: {  	_ =	shalt  }
0x84: {  	_ =	shalt  }
0x85: {  	_ =	shalt  }
0x86: {  	_ =	shalt  }
0x87: {  	_ =	shalt  }
.Lfunc_end0:
.L_simem_size_0:
called_computation.3_lowered:
.L_overlay_start_0:
0x88: {  	s2 =	sld [smem:$0x3FD9]  }
0x89: {  	s3 =	sld [smem:$0x3FFE];
	_ =	sdelay $0x1  }
0x8a: {  	s1 =	srdreg.scid  }
0x8b: {  	s0 =	sand.u32 $0x1, s1  }
0x8c: {  	s17 =	sshll.u32 s0, $0xA;
	s2 =	sadd.s32 s3, s2  }
0x8d: {  	s2 =	sadd.s32 s2, s17  }
0x8e: {  	[smem:$0x3FC1] =	sst s2  }
0x8f: {  	_ = 	snop  }
0x90: {  	s18 =	sld [smem:$0x3FD0];
	(tm) =	ssettm $0x1  }
0x91: {  	s19 =	sld [smem:$0x3FFB];
	_ =	sdelay $0x3  }
0x92: {  	_ =	strace s19  }
0x93: {  	s2 =	sld [smem:$0x3FFC];
	_ =	sdelay $0x3  }
0x94: {  	_ =	strace s2  }
0x95: {  	s2 =	sld [smem:$0x3FFD];
	_ =	sdelay $0x3  }
0x96: {  	_ =	strace s2  }
0x97: {  	_ =	strace $0x8FFFFFFF  }
0x98: {  	s20 =	sld [smem:$0x3FDB];
	_ =	sdelay $0x1  }
0x99: {  	s4 =	simm.s32 $_scs_section_size  }
0x9a: {  	s5 =	simm.s32 $_size__tile_overlayer_lowered;
	s6 =	simm.s32 $_tile_overlayer_lowered  }
0x9b: {  	s7 =	simm.s32 $0x1BFF;
	s21 =	sshll.u32 s6, $0x1;
	s4 =	sadd.s32 s4, s20  }
0x9c: {  	s22 =	simm.s32 $0x0;
	s5 =	sshll.u32 s5, $0x1;
	s6 =	sadd.s32 s21, s4  }
0x9d: {  	[timem:s22], [sflag:s7] =	dma.local [hbm:s6], s5  }
0x9e: {  	_ =	swait.ge [sflag:s7], s5  }
0x9f: {  	s5 =	ssub.s32 $0x0, s5;
	[sflag:s7] =	ssyncset.done $0x0  }
0xa0: {  	[sflag:s7] =	ssyncadd.s32 s5;
	_ =	sdelay $0x1  }
0xa1: {  	s23 =	simm.s32 $0x1B8B  }
0xa2: {  	_ =	swait.ge [sflag:s23], $0x1  }
0xa3: {  	[sflag:s23] =	ssyncset.done $0x0  }
0xa4: {  	[sflag:s23] =	ssyncadd.s32 $0xFFFFFFFF  }
0xa5: {  	s5 =	sld [smem:$0x0]  }
0xa6: {  	s6 =	sand.u32 $0xFFFFFFFE, s1  }
0xa7: {  	p0 =	sne.s32 s1, s6  }
0xa8: {  	s6 =	sshll.u32 @p0 s6, $0xE  }
0xa9: {  	s6 =	sadd.s32 @p0 $0x11B8D, s6;
	s7 =	sshll.u32 @p0 s5, $0x11  }
0xaa: {  	s6 =	sor.u32 @p0 s7, s6  }
0xab: {  	[sflag:s6] =	ssyncadd.remote.s32 @p0 $0x1;
	_ =	sdelay $0x1  }
0xac: {  	s6 =	simm.s32 @p0 $0x1B8D  }
0xad: {  	_ =	swait.eq @p0 [sflag:s6], $0x1  }
0xae: {  	[sflag:s6] =	ssyncadd.s32 @p0 $0xFFFFFFFF  }
0xaf: {  	s7 =	sshll.u32 @!p0 s1, $0xE  }
0xb0: {  	s7 =	sor.u32 @!p0 $0x4000, s7;
	s6 =	simm.s32 @!p0 $0x1B8D  }
0xb1: {  	s5 =	sshll.u32 @!p0 s5, $0x11;
	s7 =	sadd.s32 @!p0 $0x11B8D, s7;
	_ =	swait.eq @!p0 [sflag:s6], $0x1  }
0xb2: {  	s5 =	sor.u32 @!p0 s5, s7;
	[sflag:s6] =	ssyncadd.s32 @!p0 $0xFFFFFFFF  }
0xb3: {  	s25 =	simm.s32 $0x1B8E;
	s24 =	sld [smem:$0x3FFE];
	[sflag:s5] =	ssyncadd.remote.s32 @!p0 $0x1  }
0xb4: {  	s26 =	simm.s32 $execute0_lowered;
	[smem:$0x3FD2] =	sst s25  }
0xb5: {  	s6 =	sshll.u32 s26, $0x1;
	_ =	strace $0x8000004F;
	[dreg:$0x1] =	wrdreg $0xFFFFFFFF  }
0xb6: {  	s28 =	simm.s32 $_size_execute0_lowered;
	s4 =	sadd.s32 s4, s6;
	[dreg:$0x0] =	wrdreg $0x0  }
0xb7: {  	s6 =	sshll.u32 s28, $0x1;
	[dreg:$0x2] =	wrdreg s4  }
0xb8: {  	[dreg:$0x3] =	wrdreg s6  }
0xb9: {  	[dreg:$0x4] =	wrdreg $0xC0  }
0xba: {  	_ =	task [dreg:s22], $0x5FFFF  }
0xbb: {  	[dreg:$0x1] =	wrdreg $0xFFFFFFFF  }
0xbc: {  	[dreg:$0x0] =	wrdreg $0x60  }
0xbd: {  	[dreg:$0x2] =	wrdreg s18  }
0xbe: {  	[dreg:$0x3] =	wrdreg s24  }
0xbf: {  	[dreg:$0x4] =	wrdreg $0xC  }
0xc0: {  	_ =	task.clear_ibuf [dreg:s22], $0x5FFFF;
	_ =	strace $0x9000004F  }
0xc1: {  	s29 =	simm.s32 $0xC;
	_ =	strace $0x80000051  }
0xc2: {  	_ =	swait.ge [sflag:s29], $0x1  }
0xc3: {  	[sflag:s29] =	ssyncadd.s32 $0xFFFFFFFF  }
0xc4: {  	_ =	strace $0x90000051  }
0xc5: {  	_ =	sfence  }
0xc6: {  	s30 =	sld [smem:$0x0];
	_ =	sdelay $0x2  }
0xc7: {  	s31 =	sshll.u32 s1, $0xD;
	s1 =	sshrl.u32 s1, $0x2  }
0xc8: {  	s4 =	sand.u32 $0x4000, s31;
	s1 =	sadd.s32 s1, s30  }
0xc9: {  	s0 =	sor.u32 s4, s0;
	s1 =	sshll.u32 s1, $0x11  }
0xca: {  	s0 =	sor.u32 s1, s0  }
0xcb: {  	s0 =	sadd.s32 $0x8F2B, s0  }
0xcc: {  	[sflag:s0] =	ssyncadd.remote.s32 $0x1  }
0xcd: {  	_ =	sfence.sel $0xFFFF  }
0xce: {  	[dreg:$0x0] =	wrdreg $0xFFFFFFFF;
	(pc) =	sbr.abs _section_cstart, $3  }
0xcf: {  	[dreg:$0x1] =	wrdreg $0xFFFFFFFF  }
0xd0: {  	_ =	task.clear_ibuf [dreg:s22], $0x2FFFF;
	_ =	strace $0x9FFFFFFF  }
0xd1: {  	(tm) =	ssettm $0x7FFFFFFF  }
tec
execute0_lowered:
.L_overlay_start_1:
0x0: {  	(tag) =	ssettag $0x1  }
0x1: {  	s1 =	rddreg [dreg:$0x0]  }
0x2: {  	s4 =	rddreg [dreg:$0x1]  }
0x3: {  	s0 =	rddreg [dreg:$0x2];
	s5 =	srdreg.scid  }
0x4: {  	s3 =	simm.s32 $0x0;
	s2 =	stileid.u32;
	s10 =	simm.s32 $0x1080  }
0x5: {  	s11 =	simm.s32 $0x1880;
	s12 =	simm.s32 $0x2080;
	s13 =	simm.s32 $0x2880  }
0x6: {  	s14 =	simm.s32 $0x3080;
	s15 =	simm.s32 $0x3880;
	s16 =	simm.s32 $0x4080  }
0x7: {  	s17 =	simm.s32 $0x4880;
	s18 =	simm.s32 $0x5080;
	s19 =	simm.s32 $0x5880  }
0x8: {  	s20 =	simm.s32 $0x6080;
	s21 =	simm.s32 $0x6880;
	s22 =	simm.s32 $0x7080  }
0x9: {  	s23 =	simm.s32 $0x7880;
	s24 =	simm.s32 $0x1;
	s25 =	simm.s32 $0x0  }
0xa: {  	s5 =	sand.u32 $0x1, s5;
	[smem:$0x7FF] =	sst s3;
	s6 =	sshll.u32 s2, $0xB  }
0xb: {  	s8 =	sshll.u32 s2, $0x10;
	s7 =	sshll.u32 s5, $0xA;
	_ =	strace $0x80000050  }
0xc: {  	s31 =	ssub.s32 $0x2, s5;
	s8 =	sadd.s32 s8, s4;
	s5 =	sshll.u32 s5, $0xF  }
0xd: {  	s6 =	sor.u32 s7, s6;
	s9 =	sshrl.u32 s31, $0x1;
	s5 =	sadd.s32 s5, s8  }
0xe: {  	v2 =	vlaneseq.u32;
	s8 =	simm.s32 $0x80;
	s6 =	sshrl.u32 s6, $0x3;
	s7 =	ssub.s32 s31, s9  }
0xf: {  	vm0 =	vmmov $0xffff;
	v1 =	vshrl.u32 v2, $0x3;
	s5 =	sadd.s32 $0x36AC00, s5;
	s9 =	simm.s32 $0x880;
	s6 =	sadd.s32 s6, s4  }
0x10: {  	v0 =	vand.u32 $0x7, v2;
	v2 =	vor.u32 $0x8, v2;
	v1 =	vmul.u32 $0x8, v1;
	s4 =	smax.u32 s7, $0x1;
	s7 =	simm.s32 $0x2;
	s6 =	sadd.s32 $0x369C00, s6  }
.LBB2_1:
0x11: {  	s26 =	smov.u32 s5;
	s28 =	simm.s32 $0x0  }
.LBB2_2:
0x12: {  	s29 =	sadd.s32 s28, s6  }
0x13: {  	[tilespmem:s3], [sflag:$0x2] =	stream.linear.gather [hbm4b:s29+s3], $0x80, $0x38;
	[tilespmem:$0x8080] =	vst v63  }
0x14: {  	_ =	swait.ge [sflag:s7], $0x80  }
0x15: {  	[sflag:s7] =	ssyncset.done $0x0  }
0x16: {  	[sflag:s7] =	ssyncadd.s32 $0xFFFFFF80  }
0x17: {  	v3 =	vld [tilespmem:$0x0];
	_ =	sdelay $0x4  }
0x18: {  	v4 =	vshll.u32 v3, $0x1  }
0x19: {  	v3 =	vand.u32 $0x7, v3;
	v4 =	vand.u32 $0xFFFFFFF0, v4  }
0x1a: {  	v3 =	vor.u32 v3, v4  }
0x1b: {  	v4 =	vperm.xlane v3, v0;
	_ =	sdelay $0x1  }
0x1c: {  	v3 =	vperm.xlane v3, v2;
	v4 =	vadd.s32 v1, v4;
	_ =	sdelay $0x1  }
0x1d: {  	v3 =	vadd.s32 v1, v3;
	_ =	sdelay $0x2  }
0x1e: {  	[tilespmem:s8], [sflag:$0x1] =	stream.indirect_vreg.gather [hbm4b:s1+s3], $0x80, v4, vm0, $0xb8;
	[tilespmem:$0x8080] =	vst v63  }
0x1f: {  	_ = 	snop  }
0x20: {  	[tilespmem:s9], [sflag:$0x1] =	stream.indirect_vreg.gather [hbm4b:s1+s3], $0x80, v3, vm0, $0xb8;
	[tilespmem:$0x8080] =	vst v63  }
0x21: {  	v3 =	vld [tilespmem:$0x10];
	_ =	sdelay $0x4  }
0x22: {  	v57 =	vshll.u32 v3, $0x1  }
0x23: {  	v3 =	vand.u32 $0x7, v3;
	v4 =	vand.u32 $0xFFFFFFF0, v57  }
0x24: {  	v3 =	vor.u32 v3, v4  }
0x25: {  	v4 =	vperm.xlane v3, v0;
	_ =	sdelay $0x1  }
0x26: {  	v3 =	vperm.xlane v3, v2;
	v4 =	vadd.s32 v1, v4;
	_ =	sdelay $0x1  }
0x27: {  	v3 =	vadd.s32 v1, v3;
	_ =	sdelay $0x2  }
0x28: {  	[tilespmem:s10], [sflag:$0x1] =	stream.indirect_vreg.gather [hbm4b:s1+s3], $0x80, v4, vm0, $0xb8;
	[tilespmem:$0x8080] =	vst v63  }
0x29: {  	_ = 	snop  }
0x2a: {  	[tilespmem:s11], [sflag:$0x1] =	stream.indirect_vreg.gather [hbm4b:s1+s3], $0x80, v3, vm0, $0xb8;
	[tilespmem:$0x8080] =	vst v63  }
0x2b: {  	v3 =	vld [tilespmem:$0x20];
	_ =	sdelay $0x4  }
0x2c: {  	v58 =	vshll.u32 v3, $0x1  }
0x2d: {  	v3 =	vand.u32 $0x7, v3;
	v4 =	vand.u32 $0xFFFFFFF0, v58  }
0x2e: {  	v3 =	vor.u32 v3, v4  }
0x2f: {  	v4 =	vperm.xlane v3, v0;
	_ =	sdelay $0x1  }
0x30: {  	v3 =	vperm.xlane v3, v2;
	v4 =	vadd.s32 v1, v4;
	_ =	sdelay $0x1  }
0x31: {  	v3 =	vadd.s32 v1, v3;
	_ =	sdelay $0x2  }
0x32: {  	[tilespmem:s12], [sflag:$0x1] =	stream.indirect_vreg.gather [hbm4b:s1+s3], $0x80, v4, vm0, $0xb8;
	[tilespmem:$0x8080] =	vst v63  }
0x33: {  	_ = 	snop  }
0x34: {  	[tilespmem:s13], [sflag:$0x1] =	stream.indirect_vreg.gather [hbm4b:s1+s3], $0x80, v3, vm0, $0xb8;
	[tilespmem:$0x8080] =	vst v63  }
0x35: {  	v3 =	vld [tilespmem:$0x30];
	_ =	sdelay $0x4  }
0x36: {  	v59 =	vshll.u32 v3, $0x1  }
0x37: {  	v3 =	vand.u32 $0x7, v3;
	v4 =	vand.u32 $0xFFFFFFF0, v59  }
0x38: {  	v3 =	vor.u32 v3, v4  }
0x39: {  	v4 =	vperm.xlane v3, v0;
	_ =	sdelay $0x1  }
0x3a: {  	v3 =	vperm.xlane v3, v2;
	v4 =	vadd.s32 v1, v4;
	_ =	sdelay $0x1  }
0x3b: {  	v3 =	vadd.s32 v1, v3;
	_ =	sdelay $0x2  }
0x3c: {  	[tilespmem:s14], [sflag:$0x1] =	stream.indirect_vreg.gather [hbm4b:s1+s3], $0x80, v4, vm0, $0xb8;
	[tilespmem:$0x8080] =	vst v63  }
0x3d: {  	_ = 	snop  }
0x3e: {  	[tilespmem:s15], [sflag:$0x1] =	stream.indirect_vreg.gather [hbm4b:s1+s3], $0x80, v3, vm0, $0xb8;
	[tilespmem:$0x8080] =	vst v63  }
0x3f: {  	v3 =	vld [tilespmem:$0x40];
	_ =	sdelay $0x4  }
0x40: {  	v60 =	vshll.u32 v3, $0x1  }
0x41: {  	v3 =	vand.u32 $0x7, v3;
	v4 =	vand.u32 $0xFFFFFFF0, v60  }
0x42: {  	v3 =	vor.u32 v3, v4  }
0x43: {  	v4 =	vperm.xlane v3, v0;
	_ =	sdelay $0x1  }
0x44: {  	v3 =	vperm.xlane v3, v2;
	v4 =	vadd.s32 v1, v4;
	_ =	sdelay $0x1  }
0x45: {  	v3 =	vadd.s32 v1, v3;
	_ =	sdelay $0x2  }
0x46: {  	[tilespmem:s16], [sflag:$0x1] =	stream.indirect_vreg.gather [hbm4b:s1+s3], $0x80, v4, vm0, $0xb8;
	[tilespmem:$0x8080] =	vst v63  }
0x47: {  	_ = 	snop  }
0x48: {  	[tilespmem:s17], [sflag:$0x1] =	stream.indirect_vreg.gather [hbm4b:s1+s3], $0x80, v3, vm0, $0xb8;
	[tilespmem:$0x8080] =	vst v63  }
0x49: {  	v3 =	vld [tilespmem:$0x50];
	_ =	sdelay $0x4  }
0x4a: {  	v61 =	vshll.u32 v3, $0x1  }
0x4b: {  	v3 =	vand.u32 $0x7, v3;
	v4 =	vand.u32 $0xFFFFFFF0, v61  }
0x4c: {  	v3 =	vor.u32 v3, v4  }
0x4d: {  	v4 =	vperm.xlane v3, v0;
	_ =	sdelay $0x1  }
0x4e: {  	v3 =	vperm.xlane v3, v2;
	v4 =	vadd.s32 v1, v4;
	_ =	sdelay $0x1  }
0x4f: {  	v3 =	vadd.s32 v1, v3;
	_ =	sdelay $0x2  }
0x50: {  	[tilespmem:s18], [sflag:$0x1] =	stream.indirect_vreg.gather [hbm4b:s1+s3], $0x80, v4, vm0, $0xb8;
	[tilespmem:$0x8080] =	vst v63  }
0x51: {  	_ = 	snop  }
0x52: {  	[tilespmem:s19], [sflag:$0x1] =	stream.indirect_vreg.gather [hbm4b:s1+s3], $0x80, v3, vm0, $0xb8;
	[tilespmem:$0x8080] =	vst v63  }
0x53: {  	v3 =	vld [tilespmem:$0x60];
	_ =	sdelay $0x4  }
0x54: {  	v62 =	vshll.u32 v3, $0x1  }
0x55: {  	v3 =	vand.u32 $0x7, v3;
	v4 =	vand.u32 $0xFFFFFFF0, v62  }
0x56: {  	v3 =	vor.u32 v3, v4  }
0x57: {  	v4 =	vperm.xlane v3, v0;
	_ =	sdelay $0x1  }
0x58: {  	v3 =	vperm.xlane v3, v2;
	v4 =	vadd.s32 v1, v4;
	_ =	sdelay $0x1  }
0x59: {  	v3 =	vadd.s32 v1, v3;
	_ =	sdelay $0x2  }
0x5a: {  	[tilespmem:s20], [sflag:$0x1] =	stream.indirect_vreg.gather [hbm4b:s1+s3], $0x80, v4, vm0, $0xb8;
	[tilespmem:$0x8080] =	vst v63  }
0x5b: {  	_ = 	snop  }
0x5c: {  	[tilespmem:s21], [sflag:$0x1] =	stream.indirect_vreg.gather [hbm4b:s1+s3], $0x80, v3, vm0, $0xb8;
	[tilespmem:$0x8080] =	vst v63  }
0x5d: {  	v3 =	vld [tilespmem:$0x70];
	_ =	sdelay $0x4  }
0x5e: {  	v63 =	vshll.u32 v3, $0x1  }
0x5f: {  	v3 =	vand.u32 $0x7, v3;
	v4 =	vand.u32 $0xFFFFFFF0, v63  }
0x60: {  	v3 =	vor.u32 v3, v4  }
0x61: {  	v4 =	vperm.xlane v3, v0;
	_ =	sdelay $0x1  }
0x62: {  	v3 =	vperm.xlane v3, v2;
	v4 =	vadd.s32 v1, v4;
	_ =	sdelay $0x1  }
0x63: {  	v3 =	vadd.s32 v1, v3;
	_ =	sdelay $0x2  }
0x64: {  	[tilespmem:s22], [sflag:$0x1] =	stream.indirect_vreg.gather [hbm4b:s1+s3], $0x80, v4, vm0, $0xb8;
	[tilespmem:$0x8080] =	vst v63  }
0x65: {  	_ = 	snop  }
0x66: {  	[tilespmem:s23], [sflag:$0x1] =	stream.indirect_vreg.gather [hbm4b:s1+s3], $0x80, v3, vm0, $0xb8;
	[tilespmem:$0x8080] =	vst v63  }
0x67: {  	_ =	swait.ge [sflag:s24], $0x8000  }
0x68: {  	p0 =	sne.s32 s28, $0x70;
	[sflag:s24] =	ssyncset.done $0x0  }
.Ltmp0:
0x69: {  	[sflag:s24] =	ssyncadd.s32 $0xFFFF8000;
	(pc) =	sbr.rel @p0 .LBB2_2-.Ltmp0, $4  }
0x6a: {  	[hbm4b:s26+s3] =	stream.linear.scatter [tilespmem:s8], [sflag:$0x2], $0x8000, $0x38;
	[tilespmem:$0x8080] =	vst v63  }
0x6b: {  	_ =	swait.ge [sflag:s7], $0x8000  }
0x6c: {  	[sflag:s7] =	ssyncset.done $0x0  }
0x6d: {  	s28 =	sadd.s32 $0x10, s28;
	s26 =	sadd.s32 $0x1000, s26;
	[sflag:s7] =	ssyncadd.s32 $0xFFFF8000  }
0x6e: {  	s25 =	sadd.s32 $0x1, s25  }
0x6f: {  	p0 =	sne.s32 s25, s4  }
.Ltmp1:
0x70: {  	_ = 	snop;
	(pc) =	sbr.rel @p0 .LBB2_1-.Ltmp1, $1  }
0x71: {  	_ =	sdelay $0x3  }
0x72: {  	_ =	sfence.sel $0x180000  }
0x73: {  	[bflag:$0x0] =	sbarrier.arrive $0xFFFF  }
0x74: {  	p0 =	sne.s32 s2, $0x0;
	_ =	strace $0x90000050  }
0x75: {  	s0 =	sadd.s32 @!p0 $0x100000, s0;
	[bflag:$0x2] =	sbarrier.arrive $0xFFFF  }
0x76: {  	[sflag:s0] =	ssyncadd.tile.s32 @!p0 $0x1;
	_ =	shalt  }
.Lfunc_end2:
_tile_overlayer_lowered:
.L_overlay_start_2:
0x77: {  	(tag) =	ssettag $0x2  }
0x78: {  	s0 =	rddreg [dreg:$0x0];
	s2 =	stileid.u32  }
0x79: {  	s1 =	rddreg [dreg:$0x1];
	p0 =	sne.s32 s2, $0x0  }
0x7a: {  	s3 =	rddreg [dreg:$0x2];
	[bflag:$0x3] =	sbarrier.arrive $0xFFFF;
	s2 =	simm.s32 @!p0 $0x1C02  }
0x7b: {  	[timem:s3], [sflag:s2] =	dma.local @!p0 [hbm:s0], s1  }
0x7c: {  	s0 =	simm.s32 @!p0 $0x2  }
0x7d: {  	_ =	swait.ge @!p0 [sflag:s0], s1  }
0x7e: {  	s1 =	ssub.s32 @!p0 $0x0, s1;
	[sflag:s0] =	ssyncset.done @!p0 $0x0  }
0x7f: {  	[sflag:s0] =	ssyncadd.s32 @!p0 s1  }
0x80: {  	[bflag:$0x3] =	sbarrier.arrive $0xFFFF  }
0x81: {  	_ =	shalt  }

</sc_bundles>
